<compile_context>
chip_gen: v7x
topology: tpu7x:2x2x1
jax: 0.10.2.dev20260603
libtpu: 0.0.44.dev20260713+nightly
codegen_flags: <defaults>
</compile_context>

<pallas_src>
import functools

import jax
import jax.numpy as jnp
from jax import lax
from jax.experimental import pallas as pl
from jax.experimental.pallas import tpu as pltpu
from jax.experimental.pallas import tpu_sc as plsc

_NUM_CORES = 2
_NUM_SUBCORES = 16
_NUM_WORKERS = _NUM_CORES * _NUM_SUBCORES

_CHUNK = 8
_NBUF = 2


def _dual_gather(n_tokens, from_dim, to_dim):
  n_per_w = n_tokens // _NUM_WORKERS
  n_chunks = n_per_w // _CHUNK

  mesh = plsc.VectorSubcoreMesh(
      core_axis_name="c", subcore_axis_name="s",
      num_cores=_NUM_CORES, num_subcores=_NUM_SUBCORES)

  @functools.partial(
      pl.kernel,
      out_type=(
          jax.ShapeDtypeStruct((n_tokens, from_dim), jnp.float32),
          jax.ShapeDtypeStruct((n_tokens, to_dim), jnp.float32),
      ),
      mesh=mesh,
      scratch_types=[
          pltpu.VMEM((n_chunks, _CHUNK), jnp.int32),
          pltpu.VMEM((_NBUF, _CHUNK, from_dim), jnp.float32),
          pltpu.VMEM((_NBUF, _CHUNK, to_dim), jnp.float32),
          pltpu.VMEM_SHARED((_NUM_SUBCORES, _NBUF, _CHUNK, from_dim),
                            jnp.float32),
          pltpu.VMEM_SHARED((_NUM_SUBCORES, _NBUF, _CHUNK, to_dim),
                            jnp.float32),
          [pltpu.SemaphoreType.DMA] * _NBUF,
          [pltpu.SemaphoreType.DMA] * _NBUF,
          [pltpu.SemaphoreType.DMA] * _NBUF,
          [pltpu.SemaphoreType.DMA] * _NBUF,
          [pltpu.SemaphoreType.DMA] * _NBUF,
          [pltpu.SemaphoreType.DMA] * _NBUF,
      ],
  )
  def k(tok_hbm, from_hbm, to_hbm, out_from_hbm, out_to_hbm,
        idx_v, fbuf, tbuf, fsp, tsp, gf, gt, xf, xt, sf, st):
    sid = lax.axis_index("s")
    wid = sid * _NUM_CORES + lax.axis_index("c")
    chunk_row = wid * n_chunks
    pltpu.sync_copy(tok_hbm.at[pl.ds(chunk_row, n_chunks)], idx_v)

    def gather_issue(j, b):
      pltpu.async_copy(from_hbm.at[idx_v.at[j]], fbuf.at[b], gf[b])
      pltpu.async_copy(to_hbm.at[idx_v.at[j]], tbuf.at[b], gt[b])

    def gather_wait(b):
      pltpu.make_async_copy(out_from_hbm.at[pl.ds(0, _CHUNK)], fbuf.at[b],
                            gf[b]).wait()
      pltpu.make_async_copy(out_to_hbm.at[pl.ds(0, _CHUNK)], tbuf.at[b],
                            gt[b]).wait()

    def xcopy(b):
      pltpu.async_copy(fbuf.at[b], fsp.at[sid, b], xf[b])
      pltpu.async_copy(tbuf.at[b], tsp.at[sid, b], xt[b])
      pltpu.make_async_copy(fbuf.at[b], fsp.at[sid, b], xf[b]).wait()
      pltpu.make_async_copy(tbuf.at[b], tsp.at[sid, b], xt[b]).wait()

    def store_issue(j, b):
      base = (chunk_row + j) * _CHUNK
      pltpu.async_copy(fsp.at[sid, b], out_from_hbm.at[pl.ds(base, _CHUNK)],
                       sf[b])
      pltpu.async_copy(tsp.at[sid, b], out_to_hbm.at[pl.ds(base, _CHUNK)],
                       st[b])

    def store_wait(b):
      pltpu.make_async_copy(fsp.at[sid, b], out_from_hbm.at[pl.ds(0, _CHUNK)],
                            sf[b]).wait()
      pltpu.make_async_copy(tsp.at[sid, b], out_to_hbm.at[pl.ds(0, _CHUNK)],
                            st[b]).wait()

    for b in range(_NBUF):
      gather_issue(b, b)

    def body(i, carry):
      for b in range(_NBUF):
        j = _NBUF * i + b
        gather_wait(b)

        @pl.when(j >= _NBUF)
        def _():
          store_wait(b)

        xcopy(b)
        store_issue(j, b)

        @pl.when(j + _NBUF < n_chunks)
        def _():
          gather_issue(j + _NBUF, b)

      return carry

    lax.fori_loop(0, n_chunks // _NBUF, body, 0)

    for b in range(_NBUF):
      store_wait(b)

  return k


def kernel(t5_tokens, from_table, to_table):
  batch, seq = t5_tokens.shape
  n_tokens = batch * seq
  from_dim = from_table.shape[1]
  to_dim = to_table.shape[1]

  tokens2d = t5_tokens.reshape(n_tokens // _CHUNK, _CHUNK)
  gather = _dual_gather(n_tokens, from_dim, to_dim)
  out_from, out_to = gather(tokens2d, from_table, to_table)
  return (out_from.reshape(batch, seq, from_dim),
          out_to.reshape(batch, seq, to_dim))

# --- scband reference (transcript-rebuilt; emitter-appended) ---
"""Pipeline reference for scband-base-model-4561255268755 (READ-ONLY COPY).

The authoritative reference and input builder live on the scoring server;
editing this copy changes nothing except your own understanding.
"""

import jax, jax.numpy as jnp
import numpy as np

VOCAB = 32128
FROM_DIM = 1024
TO_DIM = 2048
BATCH = 1024
SEQ = 32


def setup_inputs(seed: int = 0) -> dict:
    key = jax.random.key(seed)
    k1, k2, k3 = jax.random.split(key, 3)
    t5_tokens = jax.random.randint(k1, (BATCH, SEQ), 0, VOCAB, dtype=jnp.int32)
    from_table = jax.random.normal(k2, (VOCAB, FROM_DIM), dtype=jnp.float32) * 0.02
    to_table = jax.random.normal(k3, (VOCAB, TO_DIM), dtype=jnp.float32) * 0.02
    return {"t5_tokens": t5_tokens, "from_table": from_table, "to_table": to_table}


def reference(t5_tokens, from_table, to_table):
    # BaseModel.to_wrd_embed: two parallel nn.Embedding lookups over the same token ids
    from_embeds = jnp.take(from_table, t5_tokens, axis=0)
    to_embeds = jnp.take(to_table, t5_tokens, axis=0)
    return (from_embeds, to_embeds)

if __name__ == "__main__":
    import jax
    _d = setup_inputs()
    print(jax.jit(kernel)(*tuple(_d.values())))

</pallas_src>

<mosaic_0001>
#map = affine_map<(d0, d1) -> (0, 0)>
module attributes {stable_mosaic.version = 14 : i64} {
  func.func @k(%arg0: i32, %arg1: i32, %arg2: memref<4096x8xi32, #tpu.memory_space<hbm>>, %arg3: memref<32128x1024xf32, #tpu.memory_space<hbm>>, %arg4: memref<32128x2048xf32, #tpu.memory_space<hbm>>, %arg5: memref<32768x1024xf32, #tpu.memory_space<hbm>>, %arg6: memref<32768x2048xf32, #tpu.memory_space<hbm>>, %arg7: memref<128x8xi32, #tpu.memory_space<vmem>>, %arg8: memref<2x8x1024xf32, #tpu.memory_space<vmem>>, %arg9: memref<2x8x2048xf32, #tpu.memory_space<vmem>>, %arg10: memref<16x2x8x1024xf32, #tpu.memory_space<vmem_shared>>, %arg11: memref<16x2x8x2048xf32, #tpu.memory_space<vmem_shared>>, %arg12: memref<!tpu.dma_semaphore, #tpu.memory_space<semaphore_mem>>, %arg13: memref<!tpu.dma_semaphore, #tpu.memory_space<semaphore_mem>>, %arg14: memref<!tpu.dma_semaphore, #tpu.memory_space<semaphore_mem>>, %arg15: memref<!tpu.dma_semaphore, #tpu.memory_space<semaphore_mem>>, %arg16: memref<!tpu.dma_semaphore, #tpu.memory_space<semaphore_mem>>, %arg17: memref<!tpu.dma_semaphore, #tpu.memory_space<semaphore_mem>>, %arg18: memref<!tpu.dma_semaphore, #tpu.memory_space<semaphore_mem>>, %arg19: memref<!tpu.dma_semaphore, #tpu.memory_space<semaphore_mem>>, %arg20: memref<!tpu.dma_semaphore, #tpu.memory_space<semaphore_mem>>, %arg21: memref<!tpu.dma_semaphore, #tpu.memory_space<semaphore_mem>>, %arg22: memref<!tpu.dma_semaphore, #tpu.memory_space<semaphore_mem>>, %arg23: memref<!tpu.dma_semaphore, #tpu.memory_space<semaphore_mem>>) attributes {dimension_semantics = [#tpu.dimension_semantics<core_parallel>, #tpu.dimension_semantics<subcore_parallel>], iteration_bounds = array<i64: 2, 16>, scalar_prefetch = 0 : i64, scratch_operands = 17 : i64, tpu.core_type = #tpu.core_type<sc_vector_subcore>, window_params = [{transform_indices = #map}, {transform_indices = #map}, {transform_indices = #map}, {transform_indices = #map}, {transform_indices = #map}]} {
    %mul3A = arith.constant 2 : i32
    %mul3A_0 = arith.muli %arg1, %mul3A : i32
    %add3A = arith.addi %mul3A_0, %arg0 : i32
    %mul3A_1 = arith.constant 128 : i32
    %mul3A_2 = arith.muli %add3A, %mul3A_1 : i32
    "tpu.region"() ({
      %run_scoped3A = tpu.sem_alloc : memref<!tpu.dma_semaphore, #tpu.memory_space<semaphore_mem>>
      %dma_start3A_86 = arith.constant 0 : i32
      %dma_start3A_87 = tpu.memref_slice %arg2[%mul3A_2, %dma_start3A_86] : memref<4096x8xi32, #tpu.memory_space<hbm>> -> memref<128x8xi32, #tpu.memory_space<hbm>>
      %dma_start3A_88 = arith.constant 0 : i32
      %dma_start3A_89 = tpu.memref_slice %arg2[%mul3A_2, %dma_start3A_88] : memref<4096x8xi32, #tpu.memory_space<hbm>> -> memref<128x8xi32, #tpu.memory_space<hbm>>
      tpu.enqueue_dma source(%dma_start3A_89 : memref<128x8xi32, #tpu.memory_space<hbm>>) target(%arg7 : memref<128x8xi32, #tpu.memory_space<vmem>>) target_semaphore(%run_scoped3A : memref<!tpu.dma_semaphore, #tpu.memory_space<semaphore_mem>>)
      %dma_wait3A_90 = arith.constant 0 : i32
      %dma_wait3A_91 = tpu.memref_slice %arg2[%mul3A_2, %dma_wait3A_90] : memref<4096x8xi32, #tpu.memory_space<hbm>> -> memref<128x8xi32, #tpu.memory_space<hbm>>
      %dma_wait3A_92 = arith.constant 0 : i32
      %dma_wait3A_93 = tpu.memref_slice %arg2[%mul3A_2, %dma_wait3A_92] : memref<4096x8xi32, #tpu.memory_space<hbm>> -> memref<128x8xi32, #tpu.memory_space<hbm>>
      tpu.wait_dma2 semaphore(%run_scoped3A : memref<!tpu.dma_semaphore, #tpu.memory_space<semaphore_mem>>) src(%dma_wait3A_93 : memref<128x8xi32, #tpu.memory_space<hbm>>) dst(%arg7 : memref<128x8xi32, #tpu.memory_space<vmem>>)
      tpu.yield
    }) : () -> ()
    %dma_start3A = arith.constant 0 : i32
    %dma_start3A_3 = arith.constant 0 : i32
    %dma_start3A_4 = arith.constant 0 : i32
    %dma_start3A_5 = arith.constant 0 : i32
    %dma_start3A_6 = tpu.memref_slice %arg8[%dma_start3A_3, %dma_start3A_4, %dma_start3A_5] : memref<2x8x1024xf32, #tpu.memory_space<vmem>> -> memref<1x8x1024xf32, #tpu.memory_space<vmem>>
    %dma_start3A_7 = tpu.memref_squeeze %dma_start3A_6 : memref<1x8x1024xf32, #tpu.memory_space<vmem>> -> memref<8x1024xf32, #tpu.memory_space<vmem>>
    %dma_start3A_8 = arith.constant 0 : i32
    %dma_start3A_9 = tpu.memref_slice %arg7[%dma_start3A, %dma_start3A_8] : memref<128x8xi32, #tpu.memory_space<vmem>> -> memref<1x8xi32, #tpu.memory_space<vmem>>
    %dma_start3A_10 = tpu.memref_squeeze %dma_start3A_9 : memref<1x8xi32, #tpu.memory_space<vmem>> -> memref<8xi32, #tpu.memory_space<vmem>>
    %dma_start3A_11 = arith.constant 0 : i32
    %dma_start3A_12 = arith.constant 0 : i32
    %dma_start3A_13 = tpu.memref_slice %arg3[%dma_start3A_11, %dma_start3A_12] : memref<32128x1024xf32, #tpu.memory_space<hbm>> -> memref<32128x1024xf32, #tpu.memory_space<hbm>>
    tpu.enqueue_indirect_dma source(%dma_start3A_13 : memref<32128x1024xf32, #tpu.memory_space<hbm>>) target(%dma_start3A_7 : memref<8x1024xf32, #tpu.memory_space<vmem>>) offsets(%dma_start3A_10 : memref<8xi32, #tpu.memory_space<vmem>>) semaphore(%arg12 : memref<!tpu.dma_semaphore, #tpu.memory_space<semaphore_mem>>)
    %dma_start3A_14 = arith.constant 0 : i32
    %dma_start3A_15 = arith.constant 0 : i32
    %dma_start3A_16 = arith.constant 0 : i32
    %dma_start3A_17 = arith.constant 0 : i32
    %dma_start3A_18 = tpu.memref_slice %arg9[%dma_start3A_15, %dma_start3A_16, %dma_start3A_17] : memref<2x8x2048xf32, #tpu.memory_space<vmem>> -> memref<1x8x2048xf32, #tpu.memory_space<vmem>>
    %dma_start3A_19 = tpu.memref_squeeze %dma_start3A_18 : memref<1x8x2048xf32, #tpu.memory_space<vmem>> -> memref<8x2048xf32, #tpu.memory_space<vmem>>
    %dma_start3A_20 = arith.constant 0 : i32
    %dma_start3A_21 = tpu.memref_slice %arg7[%dma_start3A_14, %dma_start3A_20] : memref<128x8xi32, #tpu.memory_space<vmem>> -> memref<1x8xi32, #tpu.memory_space<vmem>>
    %dma_start3A_22 = tpu.memref_squeeze %dma_start3A_21 : memref<1x8xi32, #tpu.memory_space<vmem>> -> memref<8xi32, #tpu.memory_space<vmem>>
    %dma_start3A_23 = arith.constant 0 : i32
    %dma_start3A_24 = arith.constant 0 : i32
    %dma_start3A_25 = tpu.memref_slice %arg4[%dma_start3A_23, %dma_start3A_24] : memref<32128x2048xf32, #tpu.memory_space<hbm>> -> memref<32128x2048xf32, #tpu.memory_space<hbm>>
    tpu.enqueue_indirect_dma source(%dma_start3A_25 : memref<32128x2048xf32, #tpu.memory_space<hbm>>) target(%dma_start3A_19 : memref<8x2048xf32, #tpu.memory_space<vmem>>) offsets(%dma_start3A_22 : memref<8xi32, #tpu.memory_space<vmem>>) semaphore(%arg14 : memref<!tpu.dma_semaphore, #tpu.memory_space<semaphore_mem>>)
    %dma_start3A_26 = arith.constant 1 : i32
    %dma_start3A_27 = arith.constant 1 : i32
    %dma_start3A_28 = arith.constant 0 : i32
    %dma_start3A_29 = arith.constant 0 : i32
    %dma_start3A_30 = tpu.memref_slice %arg8[%dma_start3A_27, %dma_start3A_28, %dma_start3A_29] : memref<2x8x1024xf32, #tpu.memory_space<vmem>> -> memref<1x8x1024xf32, #tpu.memory_space<vmem>>
    %dma_start3A_31 = tpu.memref_squeeze %dma_start3A_30 : memref<1x8x1024xf32, #tpu.memory_space<vmem>> -> memref<8x1024xf32, #tpu.memory_space<vmem>>
    %dma_start3A_32 = arith.constant 0 : i32
    %dma_start3A_33 = tpu.memref_slice %arg7[%dma_start3A_26, %dma_start3A_32] : memref<128x8xi32, #tpu.memory_space<vmem>> -> memref<1x8xi32, #tpu.memory_space<vmem>>
    %dma_start3A_34 = tpu.memref_squeeze %dma_start3A_33 : memref<1x8xi32, #tpu.memory_space<vmem>> -> memref<8xi32, #tpu.memory_space<vmem>>
    %dma_start3A_35 = arith.constant 0 : i32
    %dma_start3A_36 = arith.constant 0 : i32
    %dma_start3A_37 = tpu.memref_slice %arg3[%dma_start3A_35, %dma_start3A_36] : memref<32128x1024xf32, #tpu.memory_space<hbm>> -> memref<32128x1024xf32, #tpu.memory_space<hbm>>
    tpu.enqueue_indirect_dma source(%dma_start3A_37 : memref<32128x1024xf32, #tpu.memory_space<hbm>>) target(%dma_start3A_31 : memref<8x1024xf32, #tpu.memory_space<vmem>>) offsets(%dma_start3A_34 : memref<8xi32, #tpu.memory_space<vmem>>) semaphore(%arg13 : memref<!tpu.dma_semaphore, #tpu.memory_space<semaphore_mem>>)
    %dma_start3A_38 = arith.constant 1 : i32
    %dma_start3A_39 = arith.constant 1 : i32
    %dma_start3A_40 = arith.constant 0 : i32
    %dma_start3A_41 = arith.constant 0 : i32
    %dma_start3A_42 = tpu.memref_slice %arg9[%dma_start3A_39, %dma_start3A_40, %dma_start3A_41] : memref<2x8x2048xf32, #tpu.memory_space<vmem>> -> memref<1x8x2048xf32, #tpu.memory_space<vmem>>
    %dma_start3A_43 = tpu.memref_squeeze %dma_start3A_42 : memref<1x8x2048xf32, #tpu.memory_space<vmem>> -> memref<8x2048xf32, #tpu.memory_space<vmem>>
    %dma_start3A_44 = arith.constant 0 : i32
    %dma_start3A_45 = tpu.memref_slice %arg7[%dma_start3A_38, %dma_start3A_44] : memref<128x8xi32, #tpu.memory_space<vmem>> -> memref<1x8xi32, #tpu.memory_space<vmem>>
    %dma_start3A_46 = tpu.memref_squeeze %dma_start3A_45 : memref<1x8xi32, #tpu.memory_space<vmem>> -> memref<8xi32, #tpu.memory_space<vmem>>
    %dma_start3A_47 = arith.constant 0 : i32
    %dma_start3A_48 = arith.constant 0 : i32
    %dma_start3A_49 = tpu.memref_slice %arg4[%dma_start3A_47, %dma_start3A_48] : memref<32128x2048xf32, #tpu.memory_space<hbm>> -> memref<32128x2048xf32, #tpu.memory_space<hbm>>
    tpu.enqueue_indirect_dma source(%dma_start3A_49 : memref<32128x2048xf32, #tpu.memory_space<hbm>>) target(%dma_start3A_43 : memref<8x2048xf32, #tpu.memory_space<vmem>>) offsets(%dma_start3A_46 : memref<8xi32, #tpu.memory_space<vmem>>) semaphore(%arg15 : memref<!tpu.dma_semaphore, #tpu.memory_space<semaphore_mem>>)
    %scan3A = arith.constant 0 : i32
    %scan3A_50 = arith.constant 0 : i32
    %scan3A_51 = arith.constant 64 : i32
    %scan3A_52 = arith.addi %scan3A_50, %scan3A_51 : i32
    %scan3A_53 = arith.constant 1 : i32
    scf.for %scan3A_86 = %scan3A_50 to %scan3A_52 step %scan3A_53  : i32 {
      %mul3A_87 = arith.constant 2 : i32
      %mul3A_88 = arith.muli %mul3A_87, %scan3A_86 : i32
      %add3A_89 = arith.constant 0 : i32
      %add3A_90 = arith.addi %mul3A_88, %add3A_89 : i32
      %dma_wait3A_91 = arith.constant 0 : i32
      %dma_wait3A_92 = arith.constant 0 : i32
      %dma_wait3A_93 = arith.constant 0 : i32
      %dma_wait3A_94 = tpu.memref_slice %arg8[%dma_wait3A_91, %dma_wait3A_92, %dma_wait3A_93] : memref<2x8x1024xf32, #tpu.memory_space<vmem>> -> memref<1x8x1024xf32, #tpu.memory_space<vmem>>
      %dma_wait3A_95 = tpu.memref_squeeze %dma_wait3A_94 : memref<1x8x1024xf32, #tpu.memory_space<vmem>> -> memref<8x1024xf32, #tpu.memory_space<vmem>>
      %dma_wait3A_96 = arith.constant 0 : i32
      %dma_wait3A_97 = arith.constant 0 : i32
      %dma_wait3A_98 = tpu.memref_slice %arg5[%dma_wait3A_96, %dma_wait3A_97] : memref<32768x1024xf32, #tpu.memory_space<hbm>> -> memref<8x1024xf32, #tpu.memory_space<hbm>>
      %dma_wait3A_99 = arith.constant 0 : i32
      %dma_wait3A_100 = arith.constant 0 : i32
      %dma_wait3A_101 = tpu.memref_slice %arg8[%dma_wait3A_91, %dma_wait3A_99, %dma_wait3A_100] : memref<2x8x1024xf32, #tpu.memory_space<vmem>> -> memref<1x8x1024xf32, #tpu.memory_space<vmem>>
      %dma_wait3A_102 = tpu.memref_squeeze %dma_wait3A_101 : memref<1x8x1024xf32, #tpu.memory_space<vmem>> -> memref<8x1024xf32, #tpu.memory_space<vmem>>
      %dma_wait3A_103 = arith.constant 0 : i32
      %dma_wait3A_104 = arith.constant 0 : i32
      %dma_wait3A_105 = tpu.memref_slice %arg5[%dma_wait3A_103, %dma_wait3A_104] : memref<32768x1024xf32, #tpu.memory_space<hbm>> -> memref<8x1024xf32, #tpu.memory_space<hbm>>
      tpu.wait_dma2 semaphore(%arg12 : memref<!tpu.dma_semaphore, #tpu.memory_space<semaphore_mem>>) src(%dma_wait3A_105 : memref<8x1024xf32, #tpu.memory_space<hbm>>) dst(%dma_wait3A_102 : memref<8x1024xf32, #tpu.memory_space<vmem>>)
      %dma_wait3A_106 = arith.constant 0 : i32
      %dma_wait3A_107 = arith.constant 0 : i32
      %dma_wait3A_108 = arith.constant 0 : i32
      %dma_wait3A_109 = tpu.memref_slice %arg9[%dma_wait3A_106, %dma_wait3A_107, %dma_wait3A_108] : memref<2x8x2048xf32, #tpu.memory_space<vmem>> -> memref<1x8x2048xf32, #tpu.memory_space<vmem>>
      %dma_wait3A_110 = tpu.memref_squeeze %dma_wait3A_109 : memref<1x8x2048xf32, #tpu.memory_space<vmem>> -> memref<8x2048xf32, #tpu.memory_space<vmem>>
      %dma_wait3A_111 = arith.constant 0 : i32
      %dma_wait3A_112 = arith.constant 0 : i32
      %dma_wait3A_113 = tpu.memref_slice %arg6[%dma_wait3A_111, %dma_wait3A_112] : memref<32768x2048xf32, #tpu.memory_space<hbm>> -> memref<8x2048xf32, #tpu.memory_space<hbm>>
      %dma_wait3A_114 = arith.constant 0 : i32
      %dma_wait3A_115 = arith.constant 0 : i32
      %dma_wait3A_116 = tpu.memref_slice %arg9[%dma_wait3A_106, %dma_wait3A_114, %dma_wait3A_115] : memref<2x8x2048xf32, #tpu.memory_space<vmem>> -> memref<1x8x2048xf32, #tpu.memory_space<vmem>>
      %dma_wait3A_117 = tpu.memref_squeeze %dma_wait3A_116 : memref<1x8x2048xf32, #tpu.memory_space<vmem>> -> memref<8x2048xf32, #tpu.memory_space<vmem>>
      %dma_wait3A_118 = arith.constant 0 : i32
      %dma_wait3A_119 = arith.constant 0 : i32
      %dma_wait3A_120 = tpu.memref_slice %arg6[%dma_wait3A_118, %dma_wait3A_119] : memref<32768x2048xf32, #tpu.memory_space<hbm>> -> memref<8x2048xf32, #tpu.memory_space<hbm>>
      tpu.wait_dma2 semaphore(%arg14 : memref<!tpu.dma_semaphore, #tpu.memory_space<semaphore_mem>>) src(%dma_wait3A_120 : memref<8x2048xf32, #tpu.memory_space<hbm>>) dst(%dma_wait3A_117 : memref<8x2048xf32, #tpu.memory_space<vmem>>)
      %ge3A = arith.constant 2 : i32
      %ge3A_121 = arith.cmpi sge, %add3A_90, %ge3A : i32
      %convert_element_type3A = arith.extui %ge3A_121 : i1 to i32
      %cond3A = arith.constant 0 : i32
      %cond3A_122 = arith.cmpi ne, %convert_element_type3A, %cond3A : i32
      scf.if %cond3A_122 {
        %dma_wait3A_353 = arith.constant 0 : i32
        %dma_wait3A_354 = arith.constant 0 : i32
        %dma_wait3A_355 = arith.constant 0 : i32
        %dma_wait3A_356 = tpu.memref_slice %arg5[%dma_wait3A_354, %dma_wait3A_355] : memref<32768x1024xf32, #tpu.memory_space<hbm>> -> memref<8x1024xf32, #tpu.memory_space<hbm>>
        %dma_wait3A_357 = arith.constant 0 : i32
        %dma_wait3A_358 = arith.constant 0 : i32
        %dma_wait3A_359 = tpu.memref_slice %arg10[%arg1, %dma_wait3A_353, %dma_wait3A_357, %dma_wait3A_358] : memref<16x2x8x1024xf32, #tpu.memory_space<vmem_shared>> -> memref<1x1x8x1024xf32, #tpu.memory_space<vmem_shared>>
        %dma_wait3A_360 = tpu.memref_squeeze %dma_wait3A_359 : memref<1x1x8x1024xf32, #tpu.memory_space<vmem_shared>> -> memref<8x1024xf32, #tpu.memory_space<vmem_shared>>
        tpu.wait_dma2 semaphore(%arg20 : memref<!tpu.dma_semaphore, #tpu.memory_space<semaphore_mem>>) src(%dma_wait3A_360 : memref<8x1024xf32, #tpu.memory_space<vmem_shared>>) dst(%dma_wait3A_356 : memref<8x1024xf32, #tpu.memory_space<hbm>>)
        %dma_wait3A_361 = arith.constant 0 : i32
        %dma_wait3A_362 = arith.constant 0 : i32
        %dma_wait3A_363 = arith.constant 0 : i32
        %dma_wait3A_364 = tpu.memref_slice %arg6[%dma_wait3A_362, %dma_wait3A_363] : memref<32768x2048xf32, #tpu.memory_space<hbm>> -> memref<8x2048xf32, #tpu.memory_space<hbm>>
        %dma_wait3A_365 = arith.constant 0 : i32
        %dma_wait3A_366 = arith.constant 0 : i32
        %dma_wait3A_367 = tpu.memref_slice %arg11[%arg1, %dma_wait3A_361, %dma_wait3A_365, %dma_wait3A_366] : memref<16x2x8x2048xf32, #tpu.memory_space<vmem_shared>> -> memref<1x1x8x2048xf32, #tpu.memory_space<vmem_shared>>
        %dma_wait3A_368 = tpu.memref_squeeze %dma_wait3A_367 : memref<1x1x8x2048xf32, #tpu.memory_space<vmem_shared>> -> memref<8x2048xf32, #tpu.memory_space<vmem_shared>>
        tpu.wait_dma2 semaphore(%arg22 : memref<!tpu.dma_semaphore, #tpu.memory_space<semaphore_mem>>) src(%dma_wait3A_368 : memref<8x2048xf32, #tpu.memory_space<vmem_shared>>) dst(%dma_wait3A_364 : memref<8x2048xf32, #tpu.memory_space<hbm>>)
      } else {
      }
      %dma_start3A_123 = arith.constant 0 : i32
      %dma_start3A_124 = arith.constant 0 : i32
      %dma_start3A_125 = arith.constant 0 : i32
      %dma_start3A_126 = arith.constant 0 : i32
      %dma_start3A_127 = tpu.memref_slice %arg8[%dma_start3A_123, %dma_start3A_125, %dma_start3A_126] : memref<2x8x1024xf32, #tpu.memory_space<vmem>> -> memref<1x8x1024xf32, #tpu.memory_space<vmem>>
      %dma_start3A_128 = tpu.memref_squeeze %dma_start3A_127 : memref<1x8x1024xf32, #tpu.memory_space<vmem>> -> memref<8x1024xf32, #tpu.memory_space<vmem>>
      %dma_start3A_129 = arith.constant 0 : i32
      %dma_start3A_130 = arith.constant 0 : i32
      %dma_start3A_131 = tpu.memref_slice %arg10[%arg1, %dma_start3A_124, %dma_start3A_129, %dma_start3A_130] : memref<16x2x8x1024xf32, #tpu.memory_space<vmem_shared>> -> memref<1x1x8x1024xf32, #tpu.memory_space<vmem_shared>>
      %dma_start3A_132 = tpu.memref_squeeze %dma_start3A_131 : memref<1x1x8x1024xf32, #tpu.memory_space<vmem_shared>> -> memref<8x1024xf32, #tpu.memory_space<vmem_shared>>
      %dma_start3A_133 = arith.constant 0 : i32
      %dma_start3A_134 = arith.constant 0 : i32
      %dma_start3A_135 = tpu.memref_slice %arg10[%arg1, %dma_start3A_124, %dma_start3A_133, %dma_start3A_134] : memref<16x2x8x1024xf32, #tpu.memory_space<vmem_shared>> -> memref<1x1x8x1024xf32, #tpu.memory_space<vmem_shared>>
      %dma_start3A_136 = tpu.memref_squeeze %dma_start3A_135 : memref<1x1x8x1024xf32, #tpu.memory_space<vmem_shared>> -> memref<8x1024xf32, #tpu.memory_space<vmem_shared>>
      %dma_start3A_137 = arith.constant 0 : i32
      %dma_start3A_138 = arith.constant 0 : i32
      %dma_start3A_139 = tpu.memref_slice %arg8[%dma_start3A_123, %dma_start3A_137, %dma_start3A_138] : memref<2x8x1024xf32, #tpu.memory_space<vmem>> -> memref<1x8x1024xf32, #tpu.memory_space<vmem>>
      %dma_start3A_140 = tpu.memref_squeeze %dma_start3A_139 : memref<1x8x1024xf32, #tpu.memory_space<vmem>> -> memref<8x1024xf32, #tpu.memory_space<vmem>>
      tpu.enqueue_dma source(%dma_start3A_140 : memref<8x1024xf32, #tpu.memory_space<vmem>>) target(%dma_start3A_136 : memref<8x1024xf32, #tpu.memory_space<vmem_shared>>) target_semaphore(%arg16 : memref<!tpu.dma_semaphore, #tpu.memory_space<semaphore_mem>>)
      %dma_start3A_141 = arith.constant 0 : i32
      %dma_start3A_142 = arith.constant 0 : i32
      %dma_start3A_143 = arith.constant 0 : i32
      %dma_start3A_144 = arith.constant 0 : i32
      %dma_start3A_145 = tpu.memref_slice %arg9[%dma_start3A_141, %dma_start3A_143, %dma_start3A_144] : memref<2x8x2048xf32, #tpu.memory_space<vmem>> -> memref<1x8x2048xf32, #tpu.memory_space<vmem>>
      %dma_start3A_146 = tpu.memref_squeeze %dma_start3A_145 : memref<1x8x2048xf32, #tpu.memory_space<vmem>> -> memref<8x2048xf32, #tpu.memory_space<vmem>>
      %dma_start3A_147 = arith.constant 0 : i32
      %dma_start3A_148 = arith.constant 0 : i32
      %dma_start3A_149 = tpu.memref_slice %arg11[%arg1, %dma_start3A_142, %dma_start3A_147, %dma_start3A_148] : memref<16x2x8x2048xf32, #tpu.memory_space<vmem_shared>> -> memref<1x1x8x2048xf32, #tpu.memory_space<vmem_shared>>
      %dma_start3A_150 = tpu.memref_squeeze %dma_start3A_149 : memref<1x1x8x2048xf32, #tpu.memory_space<vmem_shared>> -> memref<8x2048xf32, #tpu.memory_space<vmem_shared>>
      %dma_start3A_151 = arith.constant 0 : i32
      %dma_start3A_152 = arith.constant 0 : i32
      %dma_start3A_153 = tpu.memref_slice %arg11[%arg1, %dma_start3A_142, %dma_start3A_151, %dma_start3A_152] : memref<16x2x8x2048xf32, #tpu.memory_space<vmem_shared>> -> memref<1x1x8x2048xf32, #tpu.memory_space<vmem_shared>>
      %dma_start3A_154 = tpu.memref_squeeze %dma_start3A_153 : memref<1x1x8x2048xf32, #tpu.memory_space<vmem_shared>> -> memref<8x2048xf32, #tpu.memory_space<vmem_shared>>
      %dma_start3A_155 = arith.constant 0 : i32
      %dma_start3A_156 = arith.constant 0 : i32
      %dma_start3A_157 = tpu.memref_slice %arg9[%dma_start3A_141, %dma_start3A_155, %dma_start3A_156] : memref<2x8x2048xf32, #tpu.memory_space<vmem>> -> memref<1x8x2048xf32, #tpu.memory_space<vmem>>
      %dma_start3A_158 = tpu.memref_squeeze %dma_start3A_157 : memref<1x8x2048xf32, #tpu.memory_space<vmem>> -> memref<8x2048xf32, #tpu.memory_space<vmem>>
      tpu.enqueue_dma source(%dma_start3A_158 : memref<8x2048xf32, #tpu.memory_space<vmem>>) target(%dma_start3A_154 : memref<8x2048xf32, #tpu.memory_space<vmem_shared>>) target_semaphore(%arg18 : memref<!tpu.dma_semaphore, #tpu.memory_space<semaphore_mem>>)
      %dma_wait3A_159 = arith.constant 0 : i32
      %dma_wait3A_160 = arith.constant 0 : i32
      %dma_wait3A_161 = arith.constant 0 : i32
      %dma_wait3A_162 = arith.constant 0 : i32
      %dma_wait3A_163 = tpu.memref_slice %arg8[%dma_wait3A_159, %dma_wait3A_161, %dma_wait3A_162] : memref<2x8x1024xf32, #tpu.memory_space<vmem>> -> memref<1x8x1024xf32, #tpu.memory_space<vmem>>
      %dma_wait3A_164 = tpu.memref_squeeze %dma_wait3A_163 : memref<1x8x1024xf32, #tpu.memory_space<vmem>> -> memref<8x1024xf32, #tpu.memory_space<vmem>>
      %dma_wait3A_165 = arith.constant 0 : i32
      %dma_wait3A_166 = arith.constant 0 : i32
      %dma_wait3A_167 = tpu.memref_slice %arg10[%arg1, %dma_wait3A_160, %dma_wait3A_165, %dma_wait3A_166] : memref<16x2x8x1024xf32, #tpu.memory_space<vmem_shared>> -> memref<1x1x8x1024xf32, #tpu.memory_space<vmem_shared>>
      %dma_wait3A_168 = tpu.memref_squeeze %dma_wait3A_167 : memref<1x1x8x1024xf32, #tpu.memory_space<vmem_shared>> -> memref<8x1024xf32, #tpu.memory_space<vmem_shared>>
      %dma_wait3A_169 = arith.constant 0 : i32
      %dma_wait3A_170 = arith.constant 0 : i32
      %dma_wait3A_171 = tpu.memref_slice %arg10[%arg1, %dma_wait3A_160, %dma_wait3A_169, %dma_wait3A_170] : memref<16x2x8x1024xf32, #tpu.memory_space<vmem_shared>> -> memref<1x1x8x1024xf32, #tpu.memory_space<vmem_shared>>
      %dma_wait3A_172 = tpu.memref_squeeze %dma_wait3A_171 : memref<1x1x8x1024xf32, #tpu.memory_space<vmem_shared>> -> memref<8x1024xf32, #tpu.memory_space<vmem_shared>>
      %dma_wait3A_173 = arith.constant 0 : i32
      %dma_wait3A_174 = arith.constant 0 : i32
      %dma_wait3A_175 = tpu.memref_slice %arg8[%dma_wait3A_159, %dma_wait3A_173, %dma_wait3A_174] : memref<2x8x1024xf32, #tpu.memory_space<vmem>> -> memref<1x8x1024xf32, #tpu.memory_space<vmem>>
      %dma_wait3A_176 = tpu.memref_squeeze %dma_wait3A_175 : memref<1x8x1024xf32, #tpu.memory_space<vmem>> -> memref<8x1024xf32, #tpu.memory_space<vmem>>
      tpu.wait_dma2 semaphore(%arg16 : memref<!tpu.dma_semaphore, #tpu.memory_space<semaphore_mem>>) src(%dma_wait3A_176 : memref<8x1024xf32, #tpu.memory_space<vmem>>) dst(%dma_wait3A_172 : memref<8x1024xf32, #tpu.memory_space<vmem_shared>>)
      %dma_wait3A_177 = arith.constant 0 : i32
      %dma_wait3A_178 = arith.constant 0 : i32
      %dma_wait3A_179 = arith.constant 0 : i32
      %dma_wait3A_180 = arith.constant 0 : i32
      %dma_wait3A_181 = tpu.memref_slice %arg9[%dma_wait3A_177, %dma_wait3A_179, %dma_wait3A_180] : memref<2x8x2048xf32, #tpu.memory_space<vmem>> -> memref<1x8x2048xf32, #tpu.memory_space<vmem>>
      %dma_wait3A_182 = tpu.memref_squeeze %dma_wait3A_181 : memref<1x8x2048xf32, #tpu.memory_space<vmem>> -> memref<8x2048xf32, #tpu.memory_space<vmem>>
      %dma_wait3A_183 = arith.constant 0 : i32
      %dma_wait3A_184 = arith.constant 0 : i32
      %dma_wait3A_185 = tpu.memref_slice %arg11[%arg1, %dma_wait3A_178, %dma_wait3A_183, %dma_wait3A_184] : memref<16x2x8x2048xf32, #tpu.memory_space<vmem_shared>> -> memref<1x1x8x2048xf32, #tpu.memory_space<vmem_shared>>
      %dma_wait3A_186 = tpu.memref_squeeze %dma_wait3A_185 : memref<1x1x8x2048xf32, #tpu.memory_space<vmem_shared>> -> memref<8x2048xf32, #tpu.memory_space<vmem_shared>>
      %dma_wait3A_187 = arith.constant 0 : i32
      %dma_wait3A_188 = arith.constant 0 : i32
      %dma_wait3A_189 = tpu.memref_slice %arg11[%arg1, %dma_wait3A_178, %dma_wait3A_187, %dma_wait3A_188] : memref<16x2x8x2048xf32, #tpu.memory_space<vmem_shared>> -> memref<1x1x8x2048xf32, #tpu.memory_space<vmem_shared>>
      %dma_wait3A_190 = tpu.memref_squeeze %dma_wait3A_189 : memref<1x1x8x2048xf32, #tpu.memory_space<vmem_shared>> -> memref<8x2048xf32, #tpu.memory_space<vmem_shared>>
      %dma_wait3A_191 = arith.constant 0 : i32
      %dma_wait3A_192 = arith.constant 0 : i32
      %dma_wait3A_193 = tpu.memref_slice %arg9[%dma_wait3A_177, %dma_wait3A_191, %dma_wait3A_192] : memref<2x8x2048xf32, #tpu.memory_space<vmem>> -> memref<1x8x2048xf32, #tpu.memory_space<vmem>>
      %dma_wait3A_194 = tpu.memref_squeeze %dma_wait3A_193 : memref<1x8x2048xf32, #tpu.memory_space<vmem>> -> memref<8x2048xf32, #tpu.memory_space<vmem>>
      tpu.wait_dma2 semaphore(%arg18 : memref<!tpu.dma_semaphore, #tpu.memory_space<semaphore_mem>>) src(%dma_wait3A_194 : memref<8x2048xf32, #tpu.memory_space<vmem>>) dst(%dma_wait3A_190 : memref<8x2048xf32, #tpu.memory_space<vmem_shared>>)
      %add3A_195 = arith.addi %mul3A_2, %add3A_90 : i32
      %mul3A_196 = arith.constant 8 : i32
      %mul3A_197 = arith.muli %add3A_195, %mul3A_196 : i32
      %dma_start3A_198 = arith.constant 0 : i32
      %dma_start3A_199 = arith.constant 0 : i32
      %dma_start3A_200 = tpu.memref_slice %arg5[%mul3A_197, %dma_start3A_199] : memref<32768x1024xf32, #tpu.memory_space<hbm>> -> memref<8x1024xf32, #tpu.memory_space<hbm>>
      %dma_start3A_201 = arith.constant 0 : i32
      %dma_start3A_202 = arith.constant 0 : i32
      %dma_start3A_203 = tpu.memref_slice %arg10[%arg1, %dma_start3A_198, %dma_start3A_201, %dma_start3A_202] : memref<16x2x8x1024xf32, #tpu.memory_space<vmem_shared>> -> memref<1x1x8x1024xf32, #tpu.memory_space<vmem_shared>>
      %dma_start3A_204 = tpu.memref_squeeze %dma_start3A_203 : memref<1x1x8x1024xf32, #tpu.memory_space<vmem_shared>> -> memref<8x1024xf32, #tpu.memory_space<vmem_shared>>
      tpu.enqueue_dma source(%dma_start3A_204 : memref<8x1024xf32, #tpu.memory_space<vmem_shared>>) target(%dma_start3A_200 : memref<8x1024xf32, #tpu.memory_space<hbm>>) target_semaphore(%arg20 : memref<!tpu.dma_semaphore, #tpu.memory_space<semaphore_mem>>)
      %dma_start3A_205 = arith.constant 0 : i32
      %dma_start3A_206 = arith.constant 0 : i32
      %dma_start3A_207 = tpu.memref_slice %arg6[%mul3A_197, %dma_start3A_206] : memref<32768x2048xf32, #tpu.memory_space<hbm>> -> memref<8x2048xf32, #tpu.memory_space<hbm>>
      %dma_start3A_208 = arith.constant 0 : i32
      %dma_start3A_209 = arith.constant 0 : i32
      %dma_start3A_210 = tpu.memref_slice %arg11[%arg1, %dma_start3A_205, %dma_start3A_208, %dma_start3A_209] : memref<16x2x8x2048xf32, #tpu.memory_space<vmem_shared>> -> memref<1x1x8x2048xf32, #tpu.memory_space<vmem_shared>>
      %dma_start3A_211 = tpu.memref_squeeze %dma_start3A_210 : memref<1x1x8x2048xf32, #tpu.memory_space<vmem_shared>> -> memref<8x2048xf32, #tpu.memory_space<vmem_shared>>
      tpu.enqueue_dma source(%dma_start3A_211 : memref<8x2048xf32, #tpu.memory_space<vmem_shared>>) target(%dma_start3A_207 : memref<8x2048xf32, #tpu.memory_space<hbm>>) target_semaphore(%arg22 : memref<!tpu.dma_semaphore, #tpu.memory_space<semaphore_mem>>)
      %add3A_212 = arith.constant 2 : i32
      %add3A_213 = arith.addi %add3A_90, %add3A_212 : i32
      %lt3A = arith.constant 128 : i32
      %lt3A_214 = arith.cmpi slt, %add3A_213, %lt3A : i32
      %convert_element_type3A_215 = arith.extui %lt3A_214 : i1 to i32
      %cond3A_216 = arith.constant 0 : i32
      %cond3A_217 = arith.cmpi ne, %convert_element_type3A_215, %cond3A_216 : i32
      scf.if %cond3A_217 {
        %add3A_353 = arith.constant 2 : i32
        %add3A_354 = arith.addi %add3A_90, %add3A_353 : i32
        %dma_start3A_355 = arith.constant 0 : i32
        %dma_start3A_356 = arith.constant 0 : i32
        %dma_start3A_357 = arith.constant 0 : i32
        %dma_start3A_358 = tpu.memref_slice %arg8[%dma_start3A_355, %dma_start3A_356, %dma_start3A_357] : memref<2x8x1024xf32, #tpu.memory_space<vmem>> -> memref<1x8x1024xf32, #tpu.memory_space<vmem>>
        %dma_start3A_359 = tpu.memref_squeeze %dma_start3A_358 : memref<1x8x1024xf32, #tpu.memory_space<vmem>> -> memref<8x1024xf32, #tpu.memory_space<vmem>>
        %dma_start3A_360 = arith.constant 0 : i32
        %dma_start3A_361 = tpu.memref_slice %arg7[%add3A_354, %dma_start3A_360] : memref<128x8xi32, #tpu.memory_space<vmem>> -> memref<1x8xi32, #tpu.memory_space<vmem>>
        %dma_start3A_362 = tpu.memref_squeeze %dma_start3A_361 : memref<1x8xi32, #tpu.memory_space<vmem>> -> memref<8xi32, #tpu.memory_space<vmem>>
        %dma_start3A_363 = arith.constant 0 : i32
        %dma_start3A_364 = arith.constant 0 : i32
        %dma_start3A_365 = tpu.memref_slice %arg3[%dma_start3A_363, %dma_start3A_364] : memref<32128x1024xf32, #tpu.memory_space<hbm>> -> memref<32128x1024xf32, #tpu.memory_space<hbm>>
        tpu.enqueue_indirect_dma source(%dma_start3A_365 : memref<32128x1024xf32, #tpu.memory_space<hbm>>) target(%dma_start3A_359 : memref<8x1024xf32, #tpu.memory_space<vmem>>) offsets(%dma_start3A_362 : memref<8xi32, #tpu.memory_space<vmem>>) semaphore(%arg12 : memref<!tpu.dma_semaphore, #tpu.memory_space<semaphore_mem>>)
        %dma_start3A_366 = arith.constant 0 : i32
        %dma_start3A_367 = arith.constant 0 : i32
        %dma_start3A_368 = arith.constant 0 : i32
        %dma_start3A_369 = tpu.memref_slice %arg9[%dma_start3A_366, %dma_start3A_367, %dma_start3A_368] : memref<2x8x2048xf32, #tpu.memory_space<vmem>> -> memref<1x8x2048xf32, #tpu.memory_space<vmem>>
        %dma_start3A_370 = tpu.memref_squeeze %dma_start3A_369 : memref<1x8x2048xf32, #tpu.memory_space<vmem>> -> memref<8x2048xf32, #tpu.memory_space<vmem>>
        %dma_start3A_371 = arith.constant 0 : i32
        %dma_start3A_372 = tpu.memref_slice %arg7[%add3A_354, %dma_start3A_371] : memref<128x8xi32, #tpu.memory_space<vmem>> -> memref<1x8xi32, #tpu.memory_space<vmem>>
        %dma_start3A_373 = tpu.memref_squeeze %dma_start3A_372 : memref<1x8xi32, #tpu.memory_space<vmem>> -> memref<8xi32, #tpu.memory_space<vmem>>
        %dma_start3A_374 = arith.constant 0 : i32
        %dma_start3A_375 = arith.constant 0 : i32
        %dma_start3A_376 = tpu.memref_slice %arg4[%dma_start3A_374, %dma_start3A_375] : memref<32128x2048xf32, #tpu.memory_space<hbm>> -> memref<32128x2048xf32, #tpu.memory_space<hbm>>
        tpu.enqueue_indirect_dma source(%dma_start3A_376 : memref<32128x2048xf32, #tpu.memory_space<hbm>>) target(%dma_start3A_370 : memref<8x2048xf32, #tpu.memory_space<vmem>>) offsets(%dma_start3A_373 : memref<8xi32, #tpu.memory_space<vmem>>) semaphore(%arg14 : memref<!tpu.dma_semaphore, #tpu.memory_space<semaphore_mem>>)
      } else {
      }
      %mul3A_218 = arith.constant 2 : i32
      %mul3A_219 = arith.muli %mul3A_218, %scan3A_86 : i32
      %add3A_220 = arith.constant 1 : i32
      %add3A_221 = arith.addi %mul3A_219, %add3A_220 : i32
      %dma_wait3A_222 = arith.constant 1 : i32
      %dma_wait3A_223 = arith.constant 0 : i32
      %dma_wait3A_224 = arith.constant 0 : i32
      %dma_wait3A_225 = tpu.memref_slice %arg8[%dma_wait3A_222, %dma_wait3A_223, %dma_wait3A_224] : memref<2x8x1024xf32, #tpu.memory_space<vmem>> -> memref<1x8x1024xf32, #tpu.memory_space<vmem>>
      %dma_wait3A_226 = tpu.memref_squeeze %dma_wait3A_225 : memref<1x8x1024xf32, #tpu.memory_space<vmem>> -> memref<8x1024xf32, #tpu.memory_space<vmem>>
      %dma_wait3A_227 = arith.constant 0 : i32
      %dma_wait3A_228 = arith.constant 0 : i32
      %dma_wait3A_229 = tpu.memref_slice %arg5[%dma_wait3A_227, %dma_wait3A_228] : memref<32768x1024xf32, #tpu.memory_space<hbm>> -> memref<8x1024xf32, #tpu.memory_space<hbm>>
      %dma_wait3A_230 = arith.constant 0 : i32
      %dma_wait3A_231 = arith.constant 0 : i32
      %dma_wait3A_232 = tpu.memref_slice %arg8[%dma_wait3A_222, %dma_wait3A_230, %dma_wait3A_231] : memref<2x8x1024xf32, #tpu.memory_space<vmem>> -> memref<1x8x1024xf32, #tpu.memory_space<vmem>>
      %dma_wait3A_233 = tpu.memref_squeeze %dma_wait3A_232 : memref<1x8x1024xf32, #tpu.memory_space<vmem>> -> memref<8x1024xf32, #tpu.memory_space<vmem>>
      %dma_wait3A_234 = arith.constant 0 : i32
      %dma_wait3A_235 = arith.constant 0 : i32
      %dma_wait3A_236 = tpu.memref_slice %arg5[%dma_wait3A_234, %dma_wait3A_235] : memref<32768x1024xf32, #tpu.memory_space<hbm>> -> memref<8x1024xf32, #tpu.memory_space<hbm>>
      tpu.wait_dma2 semaphore(%arg13 : memref<!tpu.dma_semaphore, #tpu.memory_space<semaphore_mem>>) src(%dma_wait3A_236 : memref<8x1024xf32, #tpu.memory_space<hbm>>) dst(%dma_wait3A_233 : memref<8x1024xf32, #tpu.memory_space<vmem>>)
      %dma_wait3A_237 = arith.constant 1 : i32
      %dma_wait3A_238 = arith.constant 0 : i32
      %dma_wait3A_239 = arith.constant 0 : i32
      %dma_wait3A_240 = tpu.memref_slice %arg9[%dma_wait3A_237, %dma_wait3A_238, %dma_wait3A_239] : memref<2x8x2048xf32, #tpu.memory_space<vmem>> -> memref<1x8x2048xf32, #tpu.memory_space<vmem>>
      %dma_wait3A_241 = tpu.memref_squeeze %dma_wait3A_240 : memref<1x8x2048xf32, #tpu.memory_space<vmem>> -> memref<8x2048xf32, #tpu.memory_space<vmem>>
      %dma_wait3A_242 = arith.constant 0 : i32
      %dma_wait3A_243 = arith.constant 0 : i32
      %dma_wait3A_244 = tpu.memref_slice %arg6[%dma_wait3A_242, %dma_wait3A_243] : memref<32768x2048xf32, #tpu.memory_space<hbm>> -> memref<8x2048xf32, #tpu.memory_space<hbm>>
      %dma_wait3A_245 = arith.constant 0 : i32
      %dma_wait3A_246 = arith.constant 0 : i32
      %dma_wait3A_247 = tpu.memref_slice %arg9[%dma_wait3A_237, %dma_wait3A_245, %dma_wait3A_246] : memref<2x8x2048xf32, #tpu.memory_space<vmem>> -> memref<1x8x2048xf32, #tpu.memory_space<vmem>>
      %dma_wait3A_248 = tpu.memref_squeeze %dma_wait3A_247 : memref<1x8x2048xf32, #tpu.memory_space<vmem>> -> memref<8x2048xf32, #tpu.memory_space<vmem>>
      %dma_wait3A_249 = arith.constant 0 : i32
      %dma_wait3A_250 = arith.constant 0 : i32
      %dma_wait3A_251 = tpu.memref_slice %arg6[%dma_wait3A_249, %dma_wait3A_250] : memref<32768x2048xf32, #tpu.memory_space<hbm>> -> memref<8x2048xf32, #tpu.memory_space<hbm>>
      tpu.wait_dma2 semaphore(%arg15 : memref<!tpu.dma_semaphore, #tpu.memory_space<semaphore_mem>>) src(%dma_wait3A_251 : memref<8x2048xf32, #tpu.memory_space<hbm>>) dst(%dma_wait3A_248 : memref<8x2048xf32, #tpu.memory_space<vmem>>)
      %ge3A_252 = arith.constant 2 : i32
      %ge3A_253 = arith.cmpi sge, %add3A_221, %ge3A_252 : i32
      %convert_element_type3A_254 = arith.extui %ge3A_253 : i1 to i32
      %cond3A_255 = arith.constant 0 : i32
      %cond3A_256 = arith.cmpi ne, %convert_element_type3A_254, %cond3A_255 : i32
      scf.if %cond3A_256 {
        %dma_wait3A_353 = arith.constant 1 : i32
        %dma_wait3A_354 = arith.constant 0 : i32
        %dma_wait3A_355 = arith.constant 0 : i32
        %dma_wait3A_356 = tpu.memref_slice %arg5[%dma_wait3A_354, %dma_wait3A_355] : memref<32768x1024xf32, #tpu.memory_space<hbm>> -> memref<8x1024xf32, #tpu.memory_space<hbm>>
        %dma_wait3A_357 = arith.constant 0 : i32
        %dma_wait3A_358 = arith.constant 0 : i32
        %dma_wait3A_359 = tpu.memref_slice %arg10[%arg1, %dma_wait3A_353, %dma_wait3A_357, %dma_wait3A_358] : memref<16x2x8x1024xf32, #tpu.memory_space<vmem_shared>> -> memref<1x1x8x1024xf32, #tpu.memory_space<vmem_shared>>
        %dma_wait3A_360 = tpu.memref_squeeze %dma_wait3A_359 : memref<1x1x8x1024xf32, #tpu.memory_space<vmem_shared>> -> memref<8x1024xf32, #tpu.memory_space<vmem_shared>>
        tpu.wait_dma2 semaphore(%arg21 : memref<!tpu.dma_semaphore, #tpu.memory_space<semaphore_mem>>) src(%dma_wait3A_360 : memref<8x1024xf32, #tpu.memory_space<vmem_shared>>) dst(%dma_wait3A_356 : memref<8x1024xf32, #tpu.memory_space<hbm>>)
        %dma_wait3A_361 = arith.constant 1 : i32
        %dma_wait3A_362 = arith.constant 0 : i32
        %dma_wait3A_363 = arith.constant 0 : i32
        %dma_wait3A_364 = tpu.memref_slice %arg6[%dma_wait3A_362, %dma_wait3A_363] : memref<32768x2048xf32, #tpu.memory_space<hbm>> -> memref<8x2048xf32, #tpu.memory_space<hbm>>
        %dma_wait3A_365 = arith.constant 0 : i32
        %dma_wait3A_366 = arith.constant 0 : i32
        %dma_wait3A_367 = tpu.memref_slice %arg11[%arg1, %dma_wait3A_361, %dma_wait3A_365, %dma_wait3A_366] : memref<16x2x8x2048xf32, #tpu.memory_space<vmem_shared>> -> memref<1x1x8x2048xf32, #tpu.memory_space<vmem_shared>>
        %dma_wait3A_368 = tpu.memref_squeeze %dma_wait3A_367 : memref<1x1x8x2048xf32, #tpu.memory_space<vmem_shared>> -> memref<8x2048xf32, #tpu.memory_space<vmem_shared>>
        tpu.wait_dma2 semaphore(%arg23 : memref<!tpu.dma_semaphore, #tpu.memory_space<semaphore_mem>>) src(%dma_wait3A_368 : memref<8x2048xf32, #tpu.memory_space<vmem_shared>>) dst(%dma_wait3A_364 : memref<8x2048xf32, #tpu.memory_space<hbm>>)
      } else {
      }
      %dma_start3A_257 = arith.constant 1 : i32
      %dma_start3A_258 = arith.constant 1 : i32
      %dma_start3A_259 = arith.constant 0 : i32
      %dma_start3A_260 = arith.constant 0 : i32
      %dma_start3A_261 = tpu.memref_slice %arg8[%dma_start3A_257, %dma_start3A_259, %dma_start3A_260] : memref<2x8x1024xf32, #tpu.memory_space<vmem>> -> memref<1x8x1024xf32, #tpu.memory_space<vmem>>
      %dma_start3A_262 = tpu.memref_squeeze %dma_start3A_261 : memref<1x8x1024xf32, #tpu.memory_space<vmem>> -> memref<8x1024xf32, #tpu.memory_space<vmem>>
      %dma_start3A_263 = arith.constant 0 : i32
      %dma_start3A_264 = arith.constant 0 : i32
      %dma_start3A_265 = tpu.memref_slice %arg10[%arg1, %dma_start3A_258, %dma_start3A_263, %dma_start3A_264] : memref<16x2x8x1024xf32, #tpu.memory_space<vmem_shared>> -> memref<1x1x8x1024xf32, #tpu.memory_space<vmem_shared>>
      %dma_start3A_266 = tpu.memref_squeeze %dma_start3A_265 : memref<1x1x8x1024xf32, #tpu.memory_space<vmem_shared>> -> memref<8x1024xf32, #tpu.memory_space<vmem_shared>>
      %dma_start3A_267 = arith.constant 0 : i32
      %dma_start3A_268 = arith.constant 0 : i32
      %dma_start3A_269 = tpu.memref_slice %arg10[%arg1, %dma_start3A_258, %dma_start3A_267, %dma_start3A_268] : memref<16x2x8x1024xf32, #tpu.memory_space<vmem_shared>> -> memref<1x1x8x1024xf32, #tpu.memory_space<vmem_shared>>
      %dma_start3A_270 = tpu.memref_squeeze %dma_start3A_269 : memref<1x1x8x1024xf32, #tpu.memory_space<vmem_shared>> -> memref<8x1024xf32, #tpu.memory_space<vmem_shared>>
      %dma_start3A_271 = arith.constant 0 : i32
      %dma_start3A_272 = arith.constant 0 : i32
      %dma_start3A_273 = tpu.memref_slice %arg8[%dma_start3A_257, %dma_start3A_271, %dma_start3A_272] : memref<2x8x1024xf32, #tpu.memory_space<vmem>> -> memref<1x8x1024xf32, #tpu.memory_space<vmem>>
      %dma_start3A_274 = tpu.memref_squeeze %dma_start3A_273 : memref<1x8x1024xf32, #tpu.memory_space<vmem>> -> memref<8x1024xf32, #tpu.memory_space<vmem>>
      tpu.enqueue_dma source(%dma_start3A_274 : memref<8x1024xf32, #tpu.memory_space<vmem>>) target(%dma_start3A_270 : memref<8x1024xf32, #tpu.memory_space<vmem_shared>>) target_semaphore(%arg17 : memref<!tpu.dma_semaphore, #tpu.memory_space<semaphore_mem>>)
      %dma_start3A_275 = arith.constant 1 : i32
      %dma_start3A_276 = arith.constant 1 : i32
      %dma_start3A_277 = arith.constant 0 : i32
      %dma_start3A_278 = arith.constant 0 : i32
      %dma_start3A_279 = tpu.memref_slice %arg9[%dma_start3A_275, %dma_start3A_277, %dma_start3A_278] : memref<2x8x2048xf32, #tpu.memory_space<vmem>> -> memref<1x8x2048xf32, #tpu.memory_space<vmem>>
      %dma_start3A_280 = tpu.memref_squeeze %dma_start3A_279 : memref<1x8x2048xf32, #tpu.memory_space<vmem>> -> memref<8x2048xf32, #tpu.memory_space<vmem>>
      %dma_start3A_281 = arith.constant 0 : i32
      %dma_start3A_282 = arith.constant 0 : i32
      %dma_start3A_283 = tpu.memref_slice %arg11[%arg1, %dma_start3A_276, %dma_start3A_281, %dma_start3A_282] : memref<16x2x8x2048xf32, #tpu.memory_space<vmem_shared>> -> memref<1x1x8x2048xf32, #tpu.memory_space<vmem_shared>>
      %dma_start3A_284 = tpu.memref_squeeze %dma_start3A_283 : memref<1x1x8x2048xf32, #tpu.memory_space<vmem_shared>> -> memref<8x2048xf32, #tpu.memory_space<vmem_shared>>
      %dma_start3A_285 = arith.constant 0 : i32
      %dma_start3A_286 = arith.constant 0 : i32
      %dma_start3A_287 = tpu.memref_slice %arg11[%arg1, %dma_start3A_276, %dma_start3A_285, %dma_start3A_286] : memref<16x2x8x2048xf32, #tpu.memory_space<vmem_shared>> -> memref<1x1x8x2048xf32, #tpu.memory_space<vmem_shared>>
      %dma_start3A_288 = tpu.memref_squeeze %dma_start3A_287 : memref<1x1x8x2048xf32, #tpu.memory_space<vmem_shared>> -> memref<8x2048xf32, #tpu.memory_space<vmem_shared>>
      %dma_start3A_289 = arith.constant 0 : i32
      %dma_start3A_290 = arith.constant 0 : i32
      %dma_start3A_291 = tpu.memref_slice %arg9[%dma_start3A_275, %dma_start3A_289, %dma_start3A_290] : memref<2x8x2048xf32, #tpu.memory_space<vmem>> -> memref<1x8x2048xf32, #tpu.memory_space<vmem>>
      %dma_start3A_292 = tpu.memref_squeeze %dma_start3A_291 : memref<1x8x2048xf32, #tpu.memory_space<vmem>> -> memref<8x2048xf32, #tpu.memory_space<vmem>>
      tpu.enqueue_dma source(%dma_start3A_292 : memref<8x2048xf32, #tpu.memory_space<vmem>>) target(%dma_start3A_288 : memref<8x2048xf32, #tpu.memory_space<vmem_shared>>) target_semaphore(%arg19 : memref<!tpu.dma_semaphore, #tpu.memory_space<semaphore_mem>>)
      %dma_wait3A_293 = arith.constant 1 : i32
      %dma_wait3A_294 = arith.constant 1 : i32
      %dma_wait3A_295 = arith.constant 0 : i32
      %dma_wait3A_296 = arith.constant 0 : i32
      %dma_wait3A_297 = tpu.memref_slice %arg8[%dma_wait3A_293, %dma_wait3A_295, %dma_wait3A_296] : memref<2x8x1024xf32, #tpu.memory_space<vmem>> -> memref<1x8x1024xf32, #tpu.memory_space<vmem>>
      %dma_wait3A_298 = tpu.memref_squeeze %dma_wait3A_297 : memref<1x8x1024xf32, #tpu.memory_space<vmem>> -> memref<8x1024xf32, #tpu.memory_space<vmem>>
      %dma_wait3A_299 = arith.constant 0 : i32
      %dma_wait3A_300 = arith.constant 0 : i32
      %dma_wait3A_301 = tpu.memref_slice %arg10[%arg1, %dma_wait3A_294, %dma_wait3A_299, %dma_wait3A_300] : memref<16x2x8x1024xf32, #tpu.memory_space<vmem_shared>> -> memref<1x1x8x1024xf32, #tpu.memory_space<vmem_shared>>
      %dma_wait3A_302 = tpu.memref_squeeze %dma_wait3A_301 : memref<1x1x8x1024xf32, #tpu.memory_space<vmem_shared>> -> memref<8x1024xf32, #tpu.memory_space<vmem_shared>>
      %dma_wait3A_303 = arith.constant 0 : i32
      %dma_wait3A_304 = arith.constant 0 : i32
      %dma_wait3A_305 = tpu.memref_slice %arg10[%arg1, %dma_wait3A_294, %dma_wait3A_303, %dma_wait3A_304] : memref<16x2x8x1024xf32, #tpu.memory_space<vmem_shared>> -> memref<1x1x8x1024xf32, #tpu.memory_space<vmem_shared>>
      %dma_wait3A_306 = tpu.memref_squeeze %dma_wait3A_305 : memref<1x1x8x1024xf32, #tpu.memory_space<vmem_shared>> -> memref<8x1024xf32, #tpu.memory_space<vmem_shared>>
      %dma_wait3A_307 = arith.constant 0 : i32
      %dma_wait3A_308 = arith.constant 0 : i32
      %dma_wait3A_309 = tpu.memref_slice %arg8[%dma_wait3A_293, %dma_wait3A_307, %dma_wait3A_308] : memref<2x8x1024xf32, #tpu.memory_space<vmem>> -> memref<1x8x1024xf32, #tpu.memory_space<vmem>>
      %dma_wait3A_310 = tpu.memref_squeeze %dma_wait3A_309 : memref<1x8x1024xf32, #tpu.memory_space<vmem>> -> memref<8x1024xf32, #tpu.memory_space<vmem>>
      tpu.wait_dma2 semaphore(%arg17 : memref<!tpu.dma_semaphore, #tpu.memory_space<semaphore_mem>>) src(%dma_wait3A_310 : memref<8x1024xf32, #tpu.memory_space<vmem>>) dst(%dma_wait3A_306 : memref<8x1024xf32, #tpu.memory_space<vmem_shared>>)
      %dma_wait3A_311 = arith.constant 1 : i32
      %dma_wait3A_312 = arith.constant 1 : i32
      %dma_wait3A_313 = arith.constant 0 : i32
      %dma_wait3A_314 = arith.constant 0 : i32
      %dma_wait3A_315 = tpu.memref_slice %arg9[%dma_wait3A_311, %dma_wait3A_313, %dma_wait3A_314] : memref<2x8x2048xf32, #tpu.memory_space<vmem>> -> memref<1x8x2048xf32, #tpu.memory_space<vmem>>
      %dma_wait3A_316 = tpu.memref_squeeze %dma_wait3A_315 : memref<1x8x2048xf32, #tpu.memory_space<vmem>> -> memref<8x2048xf32, #tpu.memory_space<vmem>>
      %dma_wait3A_317 = arith.constant 0 : i32
      %dma_wait3A_318 = arith.constant 0 : i32
      %dma_wait3A_319 = tpu.memref_slice %arg11[%arg1, %dma_wait3A_312, %dma_wait3A_317, %dma_wait3A_318] : memref<16x2x8x2048xf32, #tpu.memory_space<vmem_shared>> -> memref<1x1x8x2048xf32, #tpu.memory_space<vmem_shared>>
      %dma_wait3A_320 = tpu.memref_squeeze %dma_wait3A_319 : memref<1x1x8x2048xf32, #tpu.memory_space<vmem_shared>> -> memref<8x2048xf32, #tpu.memory_space<vmem_shared>>
      %dma_wait3A_321 = arith.constant 0 : i32
      %dma_wait3A_322 = arith.constant 0 : i32
      %dma_wait3A_323 = tpu.memref_slice %arg11[%arg1, %dma_wait3A_312, %dma_wait3A_321, %dma_wait3A_322] : memref<16x2x8x2048xf32, #tpu.memory_space<vmem_shared>> -> memref<1x1x8x2048xf32, #tpu.memory_space<vmem_shared>>
      %dma_wait3A_324 = tpu.memref_squeeze %dma_wait3A_323 : memref<1x1x8x2048xf32, #tpu.memory_space<vmem_shared>> -> memref<8x2048xf32, #tpu.memory_space<vmem_shared>>
      %dma_wait3A_325 = arith.constant 0 : i32
      %dma_wait3A_326 = arith.constant 0 : i32
      %dma_wait3A_327 = tpu.memref_slice %arg9[%dma_wait3A_311, %dma_wait3A_325, %dma_wait3A_326] : memref<2x8x2048xf32, #tpu.memory_space<vmem>> -> memref<1x8x2048xf32, #tpu.memory_space<vmem>>
      %dma_wait3A_328 = tpu.memref_squeeze %dma_wait3A_327 : memref<1x8x2048xf32, #tpu.memory_space<vmem>> -> memref<8x2048xf32, #tpu.memory_space<vmem>>
      tpu.wait_dma2 semaphore(%arg19 : memref<!tpu.dma_semaphore, #tpu.memory_space<semaphore_mem>>) src(%dma_wait3A_328 : memref<8x2048xf32, #tpu.memory_space<vmem>>) dst(%dma_wait3A_324 : memref<8x2048xf32, #tpu.memory_space<vmem_shared>>)
      %add3A_329 = arith.addi %mul3A_2, %add3A_221 : i32
      %mul3A_330 = arith.constant 8 : i32
      %mul3A_331 = arith.muli %add3A_329, %mul3A_330 : i32
      %dma_start3A_332 = arith.constant 1 : i32
      %dma_start3A_333 = arith.constant 0 : i32
      %dma_start3A_334 = tpu.memref_slice %arg5[%mul3A_331, %dma_start3A_333] : memref<32768x1024xf32, #tpu.memory_space<hbm>> -> memref<8x1024xf32, #tpu.memory_space<hbm>>
      %dma_start3A_335 = arith.constant 0 : i32
      %dma_start3A_336 = arith.constant 0 : i32
      %dma_start3A_337 = tpu.memref_slice %arg10[%arg1, %dma_start3A_332, %dma_start3A_335, %dma_start3A_336] : memref<16x2x8x1024xf32, #tpu.memory_space<vmem_shared>> -> memref<1x1x8x1024xf32, #tpu.memory_space<vmem_shared>>
      %dma_start3A_338 = tpu.memref_squeeze %dma_start3A_337 : memref<1x1x8x1024xf32, #tpu.memory_space<vmem_shared>> -> memref<8x1024xf32, #tpu.memory_space<vmem_shared>>
      tpu.enqueue_dma source(%dma_start3A_338 : memref<8x1024xf32, #tpu.memory_space<vmem_shared>>) target(%dma_start3A_334 : memref<8x1024xf32, #tpu.memory_space<hbm>>) target_semaphore(%arg21 : memref<!tpu.dma_semaphore, #tpu.memory_space<semaphore_mem>>)
      %dma_start3A_339 = arith.constant 1 : i32
      %dma_start3A_340 = arith.constant 0 : i32
      %dma_start3A_341 = tpu.memref_slice %arg6[%mul3A_331, %dma_start3A_340] : memref<32768x2048xf32, #tpu.memory_space<hbm>> -> memref<8x2048xf32, #tpu.memory_space<hbm>>
      %dma_start3A_342 = arith.constant 0 : i32
      %dma_start3A_343 = arith.constant 0 : i32
      %dma_start3A_344 = tpu.memref_slice %arg11[%arg1, %dma_start3A_339, %dma_start3A_342, %dma_start3A_343] : memref<16x2x8x2048xf32, #tpu.memory_space<vmem_shared>> -> memref<1x1x8x2048xf32, #tpu.memory_space<vmem_shared>>
      %dma_start3A_345 = tpu.memref_squeeze %dma_start3A_344 : memref<1x1x8x2048xf32, #tpu.memory_space<vmem_shared>> -> memref<8x2048xf32, #tpu.memory_space<vmem_shared>>
      tpu.enqueue_dma source(%dma_start3A_345 : memref<8x2048xf32, #tpu.memory_space<vmem_shared>>) target(%dma_start3A_341 : memref<8x2048xf32, #tpu.memory_space<hbm>>) target_semaphore(%arg23 : memref<!tpu.dma_semaphore, #tpu.memory_space<semaphore_mem>>)
      %add3A_346 = arith.constant 2 : i32
      %add3A_347 = arith.addi %add3A_221, %add3A_346 : i32
      %lt3A_348 = arith.constant 128 : i32
      %lt3A_349 = arith.cmpi slt, %add3A_347, %lt3A_348 : i32
      %convert_element_type3A_350 = arith.extui %lt3A_349 : i1 to i32
      %cond3A_351 = arith.constant 0 : i32
      %cond3A_352 = arith.cmpi ne, %convert_element_type3A_350, %cond3A_351 : i32
      scf.if %cond3A_352 {
        %add3A_353 = arith.constant 2 : i32
        %add3A_354 = arith.addi %add3A_221, %add3A_353 : i32
        %dma_start3A_355 = arith.constant 1 : i32
        %dma_start3A_356 = arith.constant 0 : i32
        %dma_start3A_357 = arith.constant 0 : i32
        %dma_start3A_358 = tpu.memref_slice %arg8[%dma_start3A_355, %dma_start3A_356, %dma_start3A_357] : memref<2x8x1024xf32, #tpu.memory_space<vmem>> -> memref<1x8x1024xf32, #tpu.memory_space<vmem>>
        %dma_start3A_359 = tpu.memref_squeeze %dma_start3A_358 : memref<1x8x1024xf32, #tpu.memory_space<vmem>> -> memref<8x1024xf32, #tpu.memory_space<vmem>>
        %dma_start3A_360 = arith.constant 0 : i32
        %dma_start3A_361 = tpu.memref_slice %arg7[%add3A_354, %dma_start3A_360] : memref<128x8xi32, #tpu.memory_space<vmem>> -> memref<1x8xi32, #tpu.memory_space<vmem>>
        %dma_start3A_362 = tpu.memref_squeeze %dma_start3A_361 : memref<1x8xi32, #tpu.memory_space<vmem>> -> memref<8xi32, #tpu.memory_space<vmem>>
        %dma_start3A_363 = arith.constant 0 : i32
        %dma_start3A_364 = arith.constant 0 : i32
        %dma_start3A_365 = tpu.memref_slice %arg3[%dma_start3A_363, %dma_start3A_364] : memref<32128x1024xf32, #tpu.memory_space<hbm>> -> memref<32128x1024xf32, #tpu.memory_space<hbm>>
        tpu.enqueue_indirect_dma source(%dma_start3A_365 : memref<32128x1024xf32, #tpu.memory_space<hbm>>) target(%dma_start3A_359 : memref<8x1024xf32, #tpu.memory_space<vmem>>) offsets(%dma_start3A_362 : memref<8xi32, #tpu.memory_space<vmem>>) semaphore(%arg13 : memref<!tpu.dma_semaphore, #tpu.memory_space<semaphore_mem>>)
        %dma_start3A_366 = arith.constant 1 : i32
        %dma_start3A_367 = arith.constant 0 : i32
        %dma_start3A_368 = arith.constant 0 : i32
        %dma_start3A_369 = tpu.memref_slice %arg9[%dma_start3A_366, %dma_start3A_367, %dma_start3A_368] : memref<2x8x2048xf32, #tpu.memory_space<vmem>> -> memref<1x8x2048xf32, #tpu.memory_space<vmem>>
        %dma_start3A_370 = tpu.memref_squeeze %dma_start3A_369 : memref<1x8x2048xf32, #tpu.memory_space<vmem>> -> memref<8x2048xf32, #tpu.memory_space<vmem>>
        %dma_start3A_371 = arith.constant 0 : i32
        %dma_start3A_372 = tpu.memref_slice %arg7[%add3A_354, %dma_start3A_371] : memref<128x8xi32, #tpu.memory_space<vmem>> -> memref<1x8xi32, #tpu.memory_space<vmem>>
        %dma_start3A_373 = tpu.memref_squeeze %dma_start3A_372 : memref<1x8xi32, #tpu.memory_space<vmem>> -> memref<8xi32, #tpu.memory_space<vmem>>
        %dma_start3A_374 = arith.constant 0 : i32
        %dma_start3A_375 = arith.constant 0 : i32
        %dma_start3A_376 = tpu.memref_slice %arg4[%dma_start3A_374, %dma_start3A_375] : memref<32128x2048xf32, #tpu.memory_space<hbm>> -> memref<32128x2048xf32, #tpu.memory_space<hbm>>
        tpu.enqueue_indirect_dma source(%dma_start3A_376 : memref<32128x2048xf32, #tpu.memory_space<hbm>>) target(%dma_start3A_370 : memref<8x2048xf32, #tpu.memory_space<vmem>>) offsets(%dma_start3A_373 : memref<8xi32, #tpu.memory_space<vmem>>) semaphore(%arg15 : memref<!tpu.dma_semaphore, #tpu.memory_space<semaphore_mem>>)
      } else {
      }
    }
    %scan3A_54 = arith.constant 64 : i32
    %dma_wait3A = arith.constant 0 : i32
    %dma_wait3A_55 = arith.constant 0 : i32
    %dma_wait3A_56 = arith.constant 0 : i32
    %dma_wait3A_57 = tpu.memref_slice %arg5[%dma_wait3A_55, %dma_wait3A_56] : memref<32768x1024xf32, #tpu.memory_space<hbm>> -> memref<8x1024xf32, #tpu.memory_space<hbm>>
    %dma_wait3A_58 = arith.constant 0 : i32
    %dma_wait3A_59 = arith.constant 0 : i32
    %dma_wait3A_60 = tpu.memref_slice %arg10[%arg1, %dma_wait3A, %dma_wait3A_58, %dma_wait3A_59] : memref<16x2x8x1024xf32, #tpu.memory_space<vmem_shared>> -> memref<1x1x8x1024xf32, #tpu.memory_space<vmem_shared>>
    %dma_wait3A_61 = tpu.memref_squeeze %dma_wait3A_60 : memref<1x1x8x1024xf32, #tpu.memory_space<vmem_shared>> -> memref<8x1024xf32, #tpu.memory_space<vmem_shared>>
    tpu.wait_dma2 semaphore(%arg20 : memref<!tpu.dma_semaphore, #tpu.memory_space<semaphore_mem>>) src(%dma_wait3A_61 : memref<8x1024xf32, #tpu.memory_space<vmem_shared>>) dst(%dma_wait3A_57 : memref<8x1024xf32, #tpu.memory_space<hbm>>)
    %dma_wait3A_62 = arith.constant 0 : i32
    %dma_wait3A_63 = arith.constant 0 : i32
    %dma_wait3A_64 = arith.constant 0 : i32
    %dma_wait3A_65 = tpu.memref_slice %arg6[%dma_wait3A_63, %dma_wait3A_64] : memref<32768x2048xf32, #tpu.memory_space<hbm>> -> memref<8x2048xf32, #tpu.memory_space<hbm>>
    %dma_wait3A_66 = arith.constant 0 : i32
    %dma_wait3A_67 = arith.constant 0 : i32
    %dma_wait3A_68 = tpu.memref_slice %arg11[%arg1, %dma_wait3A_62, %dma_wait3A_66, %dma_wait3A_67] : memref<16x2x8x2048xf32, #tpu.memory_space<vmem_shared>> -> memref<1x1x8x2048xf32, #tpu.memory_space<vmem_shared>>
    %dma_wait3A_69 = tpu.memref_squeeze %dma_wait3A_68 : memref<1x1x8x2048xf32, #tpu.memory_space<vmem_shared>> -> memref<8x2048xf32, #tpu.memory_space<vmem_shared>>
    tpu.wait_dma2 semaphore(%arg22 : memref<!tpu.dma_semaphore, #tpu.memory_space<semaphore_mem>>) src(%dma_wait3A_69 : memref<8x2048xf32, #tpu.memory_space<vmem_shared>>) dst(%dma_wait3A_65 : memref<8x2048xf32, #tpu.memory_space<hbm>>)
    %dma_wait3A_70 = arith.constant 1 : i32
    %dma_wait3A_71 = arith.constant 0 : i32
    %dma_wait3A_72 = arith.constant 0 : i32
    %dma_wait3A_73 = tpu.memref_slice %arg5[%dma_wait3A_71, %dma_wait3A_72] : memref<32768x1024xf32, #tpu.memory_space<hbm>> -> memref<8x1024xf32, #tpu.memory_space<hbm>>
    %dma_wait3A_74 = arith.constant 0 : i32
    %dma_wait3A_75 = arith.constant 0 : i32
    %dma_wait3A_76 = tpu.memref_slice %arg10[%arg1, %dma_wait3A_70, %dma_wait3A_74, %dma_wait3A_75] : memref<16x2x8x1024xf32, #tpu.memory_space<vmem_shared>> -> memref<1x1x8x1024xf32, #tpu.memory_space<vmem_shared>>
    %dma_wait3A_77 = tpu.memref_squeeze %dma_wait3A_76 : memref<1x1x8x1024xf32, #tpu.memory_space<vmem_shared>> -> memref<8x1024xf32, #tpu.memory_space<vmem_shared>>
    tpu.wait_dma2 semaphore(%arg21 : memref<!tpu.dma_semaphore, #tpu.memory_space<semaphore_mem>>) src(%dma_wait3A_77 : memref<8x1024xf32, #tpu.memory_space<vmem_shared>>) dst(%dma_wait3A_73 : memref<8x1024xf32, #tpu.memory_space<hbm>>)
    %dma_wait3A_78 = arith.constant 1 : i32
    %dma_wait3A_79 = arith.constant 0 : i32
    %dma_wait3A_80 = arith.constant 0 : i32
    %dma_wait3A_81 = tpu.memref_slice %arg6[%dma_wait3A_79, %dma_wait3A_80] : memref<32768x2048xf32, #tpu.memory_space<hbm>> -> memref<8x2048xf32, #tpu.memory_space<hbm>>
    %dma_wait3A_82 = arith.constant 0 : i32
    %dma_wait3A_83 = arith.constant 0 : i32
    %dma_wait3A_84 = tpu.memref_slice %arg11[%arg1, %dma_wait3A_78, %dma_wait3A_82, %dma_wait3A_83] : memref<16x2x8x2048xf32, #tpu.memory_space<vmem_shared>> -> memref<1x1x8x2048xf32, #tpu.memory_space<vmem_shared>>
    %dma_wait3A_85 = tpu.memref_squeeze %dma_wait3A_84 : memref<1x1x8x2048xf32, #tpu.memory_space<vmem_shared>> -> memref<8x2048xf32, #tpu.memory_space<vmem_shared>>
    tpu.wait_dma2 semaphore(%arg23 : memref<!tpu.dma_semaphore, #tpu.memory_space<semaphore_mem>>) src(%dma_wait3A_85 : memref<8x2048xf32, #tpu.memory_space<vmem_shared>>) dst(%dma_wait3A_81 : memref<8x2048xf32, #tpu.memory_space<hbm>>)
    return
  }
}

</mosaic_0001>

<sc_bundles>
// kernel: kernel.3.cloned.1.call-start
scs
__scs_entry_jumppad:
0x0: {  	(pc) =	sbr.rel $0x88, $3  }
0x1: {  	(tag) =	ssettag $0x0;
	lr =	simm.s32 $0x1  }
0x2: {  	[smem:$0x3F9E] =	sst lr;
	_ =	strace $0xD0000000  }
0x3: {  	_ = 	snop  }
0x4: {  	_ = 	snop  }
0x5: {  	_ = 	snop  }
0x6: {  	_ = 	snop  }
0x7: {  	_ = 	snop  }
__scs_overlays_trampoline_lowered:
0x8: {  	[smem:$0x3FAD] =	sst s0  }
0x9: {  	[smem:$0x3FAE] =	sst s1  }
0xa: {  	[smem:$0x3FAF] =	sst s2  }
0xb: {  	[smem:$0x3FB0] =	sst s3  }
0xc: {  	[smem:$0x3FB1] =	sst s4  }
0xd: {  	[smem:$0x3FB2] =	sst s5  }
0xe: {  	[smem:$0x3FB3] =	sst s6  }
0xf: {  	[smem:$0x3FB4] =	sst s7  }
0x10: {  	[smem:$0x3FB5] =	sst s8  }
0x11: {  	[smem:$0x3FB6] =	sst s9;
	s0 =	simm.s32 @!p0 $0x0  }
0x12: {  	s1 =	sld [smem:$0x3F9C];
	s0 =	simm.s32 @p0 $0x1  }
0x13: {  	[smem:$0x3FB7] =	sst s0;
	s0 =	simm.s32 @!p1 $0x0  }
0x14: {  	s2 =	sld [smem:$0x3F9B];
	s0 =	simm.s32 @p1 $0x1  }
0x15: {  	[smem:$0x3FB8] =	sst s0;
	s0 =	simm.s32 @!p2 $0x0  }
0x16: {  	s3 =	sld [smem:$0x3FDB];
	s0 =	simm.s32 @p2 $0x1  }
0x17: {  	s4 =	simm.s32 $0x1BF5;
	[smem:$0x3FBA] =	sst s0  }
0x18: {  	s0 =	sld [smem:$0x3F9D];
	_ =	swait.ge [sflag:s4], $0x0  }
0x19: {  	s7 =	sld [smem:$0x3F9E]  }
0x1a: {  	s8 =	sadd.s32 $0xFFFFE003, lr  }
0x1b: {  	s9 =	sadd.s32 $0xFFFFFEF7, lr;
	s5 =	simm.s32 $0xFFFFFFFF;
	p2 =	slt.u32 s8, $0xFFFFF086  }
0x1c: {  	p1 =	slt.u32 s9, $0xF7A;
	s5 =	simm.s32 @!p2 $0x0  }
0x1d: {  	s5 =	simm.s32 @p1 $0x1;
	p0 =	seq.s32 s7, s2  }
0x1e: {  	s7 =	smul.u32 @!p0 $0xF7A, s2;
	p2 =	seq.s32 @!p0 s5, $0x0  }
0x1f: {  	s9 =	smul.u32 $0xF7A, s1;
	s8 =	simm.s32 @!p0 $0x1BF5;
	p2 =	por !p2, p0  }
0x20: {  	[sflag:s8] =	ssyncset.s32 @!p0 $0xFFFFF086;
	s6 =	sadd.s32 @!p0 s3, s7;
	s7 =	simm.s32 @!p0 $0x108  }
0x21: {  	s3 =	sadd.s32 s3, s9;
	s6 =	sadd.s32 @!p0 $0x88, s6;
	s7 =	simm.s32 @p2 $0x1082  }
0x22: {  	[simem:s7], [sflag:s8] =	dma.local @!p0 [hbm:s6], $0xF7A  }
0x23: {  	s9 =	sor.u32 $0xD0000000, s2;
	s6 =	simm.s32 $0x108;
	_ =	swait.ge @!p0 [sflag:s8], $0x0  }
0x24: {  	s3 =	sadd.s32 $0x88, s3;
	s6 =	simm.s32 @!p1 $0x1082;
	[sflag:s4] =	ssyncset.s32 $0xFFFFF086  }
0x25: {  	[simem:s6], [sflag:s4] =	dma.local [hbm:s3], $0xF7A  }
0x26: {  	[smem:$0x3F9E] =	sst s1;
	(tag) =	ssettag s2;
	_ =	strace s9  }
0x27: {  	s1 =	sld [smem:$0x3FAE]  }
0x28: {  	s2 =	sld [smem:$0x3FAF]  }
0x29: {  	s4 =	sld [smem:$0x3FB1]  }
0x2a: {  	p0 =	seq.s32 s5, $0x0;
	s5 =	sld [smem:$0x3FB2]  }
0x2b: {  	s6 =	sld [smem:$0x3FB3]  }
0x2c: {  	s7 =	sld [smem:$0x3FB4]  }
0x2d: {  	s3 =	simm.s32 $0x108;
	s8 =	sld [smem:$0x3FB5]  }
0x2e: {  	s3 =	simm.s32 @!p0 $0x1082;
	s9 =	sld [smem:$0x3FB6]  }
0x2f: {  	lr =	sadd.s32 s0, s3;
	s0 =	sld [smem:$0x3FAD]  }
0x30: {  	s3 =	sld [smem:$0x3FB0]  }
0x31: {  	[smem:$0x3FB9] =	sst s10  }
0x32: {  	s10 =	sld [smem:$0x3FB7];
	_ =	sdelay $0x3  }
0x33: {  	p0 =	seq.s32 s10, $0x1;
	s10 =	sld [smem:$0x3FB9];
	_ =	sdelay $0x3  }
0x34: {  	[smem:$0x3FB9] =	sst s10  }
0x35: {  	s10 =	sld [smem:$0x3FB8];
	_ =	sdelay $0x3  }
0x36: {  	p1 =	seq.s32 s10, $0x1;
	s10 =	sld [smem:$0x3FB9];
	_ =	sdelay $0x3  }
0x37: {  	[smem:$0x3FB9] =	sst s10  }
0x38: {  	s10 =	sld [smem:$0x3FBA]  }
0x39: {  	_ = 	snop;
	(pc) =	sbr.ind lr, $3  }
0x3a: {  	_ = 	snop  }
0x3b: {  	_ = 	snop  }
0x3c: {  	p2 =	seq.s32 s10, $0x1;
	s10 =	sld [smem:$0x3FB9]  }
0x3d: {  	_ =	shalt  }
0x3e: {  	_ =	shalt  }
0x3f: {  	_ =	shalt  }
0x40: {  	_ =	shalt  }
0x41: {  	_ =	shalt  }
0x42: {  	_ =	shalt  }
0x43: {  	_ =	shalt  }
0x44: {  	_ =	shalt  }
0x45: {  	_ =	shalt  }
0x46: {  	_ =	shalt  }
0x47: {  	_ =	shalt  }
0x48: {  	_ =	shalt  }
0x49: {  	_ =	shalt  }
0x4a: {  	_ =	shalt  }
0x4b: {  	_ =	shalt  }
0x4c: {  	_ =	shalt  }
0x4d: {  	_ =	shalt  }
0x4e: {  	_ =	shalt  }
0x4f: {  	_ =	shalt  }
0x50: {  	_ =	shalt  }
0x51: {  	_ =	shalt  }
0x52: {  	_ =	shalt  }
0x53: {  	_ =	shalt  }
0x54: {  	_ =	shalt  }
0x55: {  	_ =	shalt  }
0x56: {  	_ =	shalt  }
0x57: {  	_ =	shalt  }
0x58: {  	_ =	shalt  }
0x59: {  	_ =	shalt  }
0x5a: {  	_ =	shalt  }
0x5b: {  	_ =	shalt  }
0x5c: {  	_ =	shalt  }
0x5d: {  	_ =	shalt  }
0x5e: {  	_ =	shalt  }
0x5f: {  	_ =	shalt  }
0x60: {  	_ =	shalt  }
0x61: {  	_ =	shalt  }
0x62: {  	_ =	shalt  }
0x63: {  	_ =	shalt  }
0x64: {  	_ =	shalt  }
0x65: {  	_ =	shalt  }
0x66: {  	_ =	shalt  }
0x67: {  	_ =	shalt  }
0x68: {  	_ =	shalt  }
0x69: {  	_ =	shalt  }
0x6a: {  	_ =	shalt  }
0x6b: {  	_ =	shalt  }
0x6c: {  	_ =	shalt  }
0x6d: {  	_ =	shalt  }
0x6e: {  	_ =	shalt  }
0x6f: {  	_ =	shalt  }
0x70: {  	_ =	shalt  }
0x71: {  	_ =	shalt  }
0x72: {  	_ =	shalt  }
0x73: {  	_ =	shalt  }
0x74: {  	_ =	shalt  }
0x75: {  	_ =	shalt  }
0x76: {  	_ =	shalt  }
0x77: {  	_ =	shalt  }
0x78: {  	_ =	shalt  }
0x79: {  	_ =	shalt  }
0x7a: {  	_ =	shalt  }
0x7b: {  	_ =	shalt  }
0x7c: {  	_ =	shalt  }
0x7d: {  	_ =	shalt  }
0x7e: {  	_ =	shalt  }
0x7f: {  	_ =	shalt  }
0x80: {  	_ =	shalt  }
0x81: {  	_ =	shalt  }
0x82: {  	_ =	shalt  }
0x83: {  	_ =	shalt  }
0x84: {  	_ =	shalt  }
0x85: {  	_ =	shalt  }
0x86: {  	_ =	shalt  }
0x87: {  	_ =	shalt  }
.Lfunc_end0:
.L_simem_size_0:
called_computation_lowered:
.L_overlay_start_0:
0x88: {  	s2 =	sld [smem:$0x3FD9]  }
0x89: {  	s3 =	sld [smem:$0x3FFE];
	_ =	sdelay $0x1  }
0x8a: {  	s1 =	srdreg.scid  }
0x8b: {  	s0 =	sand.u32 $0x1, s1  }
0x8c: {  	s14 =	sshll.u32 s0, $0xA;
	s2 =	sadd.s32 s3, s2  }
0x8d: {  	s2 =	sadd.s32 s2, s14  }
0x8e: {  	[smem:$0x3FC5] =	sst s2  }
0x8f: {  	_ = 	snop  }
0x90: {  	s2 =	sld [smem:$0x3FD0];
	_ =	sdelay $0x1  }
0x91: {  	s15 =	sld [smem:$0x3FC8]  }
0x92: {  	s5 =	simm.s32 $0xA;
	s6 =	simm.s32 $0x10;
	s4 =	sld [smem:$0x3FC7]  }
0x93: {  	[smem:s6], [sflag:s5] =	dma.local [hbm:s2], $0x1  }
0x94: {  	_ =	swait.eq [sflag:s5], $0x1  }
0x95: {  	[sflag:s5] =	ssyncset.done $0x0  }
0x96: {  	s16 =	sld [smem:$0x10];
	[sflag:s5] =	ssyncadd.s32 $0xFFFFFFFF  }
0x97: {  	s17 =	sld [smem:$0x11];
	(tm) =	ssettm $0x1  }
0x98: {  	s18 =	sld [smem:$0x3FFB];
	_ =	sdelay $0x3  }
0x99: {  	_ =	strace s18  }
0x9a: {  	s6 =	sld [smem:$0x3FFC];
	_ =	sdelay $0x3  }
0x9b: {  	_ =	strace s6  }
0x9c: {  	s6 =	sld [smem:$0x3FFD];
	_ =	sdelay $0x3  }
0x9d: {  	_ =	strace s6  }
0x9e: {  	_ =	strace $0x8FFFFFFF  }
0x9f: {  	s19 =	sld [smem:$0x3FDB];
	_ =	sdelay $0x1  }
0xa0: {  	s7 =	simm.s32 $_scs_section_size  }
0xa1: {  	s8 =	simm.s32 $_size__tile_overlayer_lowered;
	s9 =	simm.s32 $_tile_overlayer_lowered  }
0xa2: {  	s22 =	simm.s32 $0x1BFF;
	s21 =	sshll.u32 s9, $0x1;
	s6 =	sadd.s32 s7, s19  }
0xa3: {  	s10 =	simm.s32 $0x0;
	s20 =	sshll.u32 s8, $0x1;
	s8 =	sadd.s32 s21, s6  }
0xa4: {  	[timem:s10], [sflag:s22] =	dma.local [hbm:s8], s20  }
0xa5: {  	_ =	swait.ge [sflag:s22], s20  }
0xa6: {  	s7 =	ssub.s32 $0x0, s20;
	[sflag:s22] =	ssyncset.done $0x0  }
0xa7: {  	[sflag:s22] =	ssyncadd.s32 s7;
	_ =	sdelay $0x1  }
0xa8: {  	s23 =	simm.s32 $0x1B8B  }
0xa9: {  	_ =	swait.ge [sflag:s23], $0x1  }
0xaa: {  	[sflag:s23] =	ssyncset.done $0x0  }
0xab: {  	s25 =	simm.s32 $0x1B8E;
	s24 =	sld [smem:$0x3FFE];
	[sflag:s23] =	ssyncadd.s32 $0xFFFFFFFF  }
0xac: {  	s26 =	simm.s32 $execute0_lowered;
	[smem:$0x3FD2] =	sst s25  }
0xad: {  	s8 =	sshll.u32 s26, $0x1;
	_ =	strace $0x80000046;
	[dreg:$0x1] =	wrdreg $0xFFFFFFFF  }
0xae: {  	s28 =	simm.s32 $_size_execute0_lowered;
	s6 =	sadd.s32 s6, s8;
	[dreg:$0x0] =	wrdreg $0x0  }
0xaf: {  	s8 =	sshll.u32 s28, $0x1;
	[dreg:$0x2] =	wrdreg s6  }
0xb0: {  	[dreg:$0x3] =	wrdreg s8  }
0xb1: {  	[dreg:$0x4] =	wrdreg $0xC0  }
0xb2: {  	_ =	task [dreg:s10], $0x5FFFF  }
0xb3: {  	[dreg:$0x1] =	wrdreg $0xFFFFFFFF  }
0xb4: {  	[dreg:$0x0] =	wrdreg $0x60  }
0xb5: {  	[dreg:$0x2] =	wrdreg s24  }
0xb6: {  	[dreg:$0x3] =	wrdreg s15  }
0xb7: {  	[dreg:$0x4] =	wrdreg s4  }
0xb8: {  	[dreg:$0x5] =	wrdreg s16  }
0xb9: {  	[dreg:$0x6] =	wrdreg s17  }
0xba: {  	[dreg:$0x7] =	wrdreg $0x100000  }
0xbb: {  	[dreg:$0x8] =	wrdreg $0x140000  }
0xbc: {  	[dreg:$0x9] =	wrdreg $0x9  }
0xbd: {  	_ =	task.clear_ibuf [dreg:s10], $0xAFFFF;
	_ =	strace $0x90000046  }
0xbe: {  	s29 =	simm.s32 $0x9;
	_ =	strace $0x80000048  }
0xbf: {  	_ =	swait.ge [sflag:s29], $0x1  }
0xc0: {  	[sflag:s29] =	ssyncadd.s32 $0xFFFFFFFF  }
0xc1: {  	_ =	strace $0x90000048  }
0xc2: {  	_ =	sfence  }
0xc3: {  	s30 =	sld [smem:$0x0];
	_ =	sdelay $0x2  }
0xc4: {  	s31 =	sshll.u32 s1, $0xD;
	s1 =	sshrl.u32 s1, $0x2  }
0xc5: {  	s3 =	sand.u32 $0x4000, s31;
	s1 =	sadd.s32 s1, s30  }
0xc6: {  	s0 =	sor.u32 s3, s0;
	s1 =	sshll.u32 s1, $0x11  }
0xc7: {  	s0 =	sor.u32 s1, s0  }
0xc8: {  	s0 =	sadd.s32 $0x8F2B, s0  }
0xc9: {  	[sflag:s0] =	ssyncadd.remote.s32 $0x1  }
0xca: {  	_ =	sfence.sel $0xFFFF  }
0xcb: {  	[dreg:$0x0] =	wrdreg $0xFFFFFFFF;
	(pc) =	sbr.abs _section_cstart, $3  }
0xcc: {  	[dreg:$0x1] =	wrdreg $0xFFFFFFFF  }
0xcd: {  	_ =	task.clear_ibuf [dreg:s10], $0x2FFFF;
	_ =	strace $0x9FFFFFFF  }
0xce: {  	(tm) =	ssettm $0x7FFFFFFF  }
0xcf: {  	_ =	shalt  }
tec
execute0_lowered:
.L_overlay_start_1:
0x0: {  	(tag) =	ssettag $0x1  }
0x1: {  	s0 =	rddreg [dreg:$0x0]  }
0x2: {  	s28 =	rddreg [dreg:$0x1]  }
0x3: {  	s29 =	rddreg [dreg:$0x2]  }
0x4: {  	s1 =	rddreg [dreg:$0x3]  }
0x5: {  	s2 =	rddreg [dreg:$0x4]  }
0x6: {  	s3 =	rddreg [dreg:$0x5]  }
0x7: {  	s5 =	rddreg [dreg:$0x6]  }
0x8: {  	s4 =	srdreg.scid;
	s22 =	stileid.u32;
	s30 =	simm.s32 $0x2  }
0x9: {  	s20 =	sand.u32 $0x1, s4;
	s4 =	simm.s32 $0x0;
	s6 =	sshll.u32 s22, $0xC  }
0xa: {  	s8 =	sadd.s32 $0x300, s28;
	s9 =	sadd.s32 $0x100, s29;
	s10 =	sadd.s32 $0x200, s29  }
0xb: {  	s11 =	sadd.s32 $0x300, s29;
	s12 =	sadd.s32 $0x400, s29;
	s13 =	sadd.s32 $0x500, s29  }
0xc: {  	s14 =	sadd.s32 $0x600, s29;
	s31 =	sshll.u32 s22, $0xE;
	s15 =	sadd.s32 $0x700, s29  }
0xd: {  	s23 =	sshll.u32 s22, $0x12;
	s7 =	sshll.u32 s20, $0xB;
	[smem:$0x7FF] =	sst s4  }
0xe: {  	s25 =	ssub.s32 $0x2, s20;
	s16 =	sadd.s32 s31, s3;
	s3 =	sshll.u32 s22, $0xF  }
0xf: {  	s24 =	sshll.u32 s20, $0x12;
	s1 =	sadd.s32 s23, s1;
	s6 =	sor.u32 s7, s6  }
0x10: {  	_ =	strace $0x80000047;
	s26 =	sshrl.u32 s25, $0x1;
	s7 =	sadd.s32 $0x200, s28  }
0x11: {  	s17 =	sadd.s32 s3, s5;
	s18 =	sadd.s32 $0x2000, s16;
	s5 =	sshll.u32 s22, $0x13  }
0x12: {  	s22 =	simm.s32 $0x8;
	s3 =	simm.s32 $0x0;
	s0 =	sadd.s32 s6, s0  }
0x13: {  	s21 =	ssub.s32 s25, s26;
	s6 =	sadd.s32 $0x100, s28;
	s19 =	sadd.s32 $0x4000, s17  }
0x14: {  	s25 =	sshll.u32 s20, $0x11;
	s20 =	simm.s32 $0x6;
	s0 =	sadd.s32 $0x800, s0  }
.Ltmp0:
0x15: {  	s26 =	smax.u32 s21, $0x1;
	s31 =	sadd.s32 s25, s1;
	(pc) =	sbr.rel .LBB2_1-.Ltmp0, $4  }
0x16: {  	s1 =	simm.s32 $0x6000;
	[dreg:$0x8] =	wrdreg s0;
	s0 =	sadd.s32 s5, s2  }
0x17: {  	v0 =	vlaneseq.u32;
	s25 =	simm.s32 $0xC000;
	[dreg:$0x9] =	wrdreg s26;
	s0 =	sadd.s32 s24, s0  }
0x18: {  	v1 =	vshrl.u32 v0, $0x3;
	s2 =	simm.s32 $0xC000;
	[dreg:$0xa] =	wrdreg s0;
	s0 =	sadd.s32 $0x400, s31  }
0x19: {  	vm0 =	vmmov $0xffff;
	v0 =	vand.u32 $0x7, v0;
	v1 =	vmul.u32 $0x8, v1;
	s26 =	simm.s32 $0x7;
	s5 =	simm.s32 $0x4;
	[dreg:$0xb] =	wrdreg s0  }
.LBB2_4:
0x1a: {  	s0 =	simm.s32 $0x9  }
0x1b: {  	_ =	swait.ge [sflag:s0], $0x400  }
0x1c: {  	[sflag:s0] =	ssyncset.done $0x0  }
0x1d: {  	s23 =	simm.s32 $0xB;
	[sflag:s0] =	ssyncadd.s32 $0xFFFFFC00  }
0x1e: {  	_ =	swait.ge [sflag:s23], $0x800  }
0x1f: {  	[sflag:s23] =	ssyncset.done $0x0  }
0x20: {  	s24 =	simm.s32 $0xA;
	[sflag:s23] =	ssyncadd.s32 $0xFFFFF800  }
0x21: {  	_ =	swait.ge [sflag:s24], $0x400  }
0x22: {  	[sflag:s24] =	ssyncset.done $0x0  }
0x23: {  	s1 =	simm.s32 $0xC;
	[sflag:s24] =	ssyncadd.s32 $0xFFFFFC00  }
0x24: {  	_ =	swait.ge [sflag:s1], $0x800  }
0x25: {  	s3 =	rddreg [dreg:$0xc]  }
0x26: {  	s31 =	rddreg [dreg:$0x9];
	s3 =	sadd.s32 $0x1, s3  }
0x27: {  	p0 =	sne.s32 s3, s31  }
.Ltmp1:
0x28: {  	_ = 	snop;
	(pc) =	sbr.rel @!p0 .LBB2_5-.Ltmp1, $3  }
0x29: {  	_ =	sdelay $0x1  }
0x2a: {  	[sflag:s1] =	ssyncset.done $0x0  }
0x2b: {  	s2 =	simm.s32 $0xC000;
	[sflag:s1] =	ssyncadd.s32 $0xFFFFF800;
	s1 =	simm.s32 $0x6000  }
.LBB2_1:
0x2c: {  	[dreg:$0xc] =	wrdreg s3  }
0x2d: {  	s0 =	rddreg [dreg:$0x8];
	s31 =	simm.s32 $0xD  }
0x2e: {  	[tilespmem:s4], [sflag:$0xD] =	stream.linear.gather [hbm4b:s0+s4], $0x4000, $0x38;
	[tilespmem:$0x1C000] =	vst v63  }
0x2f: {  	_ =	swait.ge [sflag:s31], $0x4000  }
0x30: {  	[sflag:s31] =	ssyncset.done $0x0  }
0x31: {  	[sflag:s31] =	ssyncadd.s32 $0xFFFFC000  }
0x32: {  	v2 =	vld.msk [tilespmem:$0x0], $0xff;
	_ =	sdelay $0x4  }
0x33: {  	v3 =	vshll.u32 v2, $0x3  }
0x34: {  	v2 =	vand.u32 $0x7, v2;
	v3 =	vand.u32 $0xFFFFFFC0, v3  }
0x35: {  	v2 =	vor.u32 v2, v3  }
0x36: {  	v2 =	vperm.xlane v2, v0;
	_ =	sdelay $0x1  }
0x37: {  	v2 =	vadd.s32 v1, v2;
	_ =	sdelay $0x3  }
0x38: {  	s3 =	simm.s32 $0x4000  }
0x39: {  	[tilespmem:s3], [sflag:$0x1] =	stream.indirect_vreg.gather [hbm4b:s28+s4], $0x80, v2, vm0, $0xb8;
	[tilespmem:$0x1C000] =	vst v63  }
0x3a: {  	s21 =	simm.s32 $0x4800  }
0x3b: {  	[tilespmem:s21], [sflag:$0x1] =	stream.indirect_vreg.gather [hbm4b:s6+s4], $0x80, v2, vm0, $0xb8;
	[tilespmem:$0x1C000] =	vst v63  }
0x3c: {  	s23 =	simm.s32 $0x5000  }
0x3d: {  	[tilespmem:s23], [sflag:$0x1] =	stream.indirect_vreg.gather [hbm4b:s7+s4], $0x80, v2, vm0, $0xb8;
	[tilespmem:$0x1C000] =	vst v63  }
0x3e: {  	s24 =	simm.s32 $0x5800  }
0x3f: {  	[tilespmem:s24], [sflag:$0x1] =	stream.indirect_vreg.gather [hbm4b:s8+s4], $0x80, v2, vm0, $0xb8;
	[tilespmem:$0x1C000] =	vst v63  }
0x40: {  	v2 =	vld.msk [tilespmem:$0x0], $0xff;
	_ =	sdelay $0x4  }
0x41: {  	v3 =	vshll.u32 v2, $0x4  }
0x42: {  	v2 =	vand.u32 $0x7, v2;
	v3 =	vand.u32 $0xFFFFFF80, v3  }
0x43: {  	v2 =	vor.u32 v2, v3  }
0x44: {  	v2 =	vperm.xlane v2, v0;
	_ =	sdelay $0x1  }
0x45: {  	v2 =	vadd.s32 v1, v2;
	_ =	sdelay $0x3  }
0x46: {  	s31 =	simm.s32 $0x8000  }
0x47: {  	[tilespmem:s31], [sflag:$0x3] =	stream.indirect_vreg.gather [hbm4b:s29+s4], $0x80, v2, vm0, $0xb8;
	[tilespmem:$0x1C000] =	vst v63  }
0x48: {  	s3 =	simm.s32 $0x8800  }
0x49: {  	[tilespmem:s3], [sflag:$0x3] =	stream.indirect_vreg.gather [hbm4b:s9+s4], $0x80, v2, vm0, $0xb8;
	[tilespmem:$0x1C000] =	vst v63  }
0x4a: {  	s21 =	simm.s32 $0x9000  }
0x4b: {  	[tilespmem:s21], [sflag:$0x3] =	stream.indirect_vreg.gather [hbm4b:s10+s4], $0x80, v2, vm0, $0xb8;
	[tilespmem:$0x1C000] =	vst v63  }
0x4c: {  	s23 =	simm.s32 $0x9800  }
0x4d: {  	[tilespmem:s23], [sflag:$0x3] =	stream.indirect_vreg.gather [hbm4b:s11+s4], $0x80, v2, vm0, $0xb8;
	[tilespmem:$0x1C000] =	vst v63  }
0x4e: {  	s24 =	simm.s32 $0xA000  }
0x4f: {  	[tilespmem:s24], [sflag:$0x3] =	stream.indirect_vreg.gather [hbm4b:s12+s4], $0x80, v2, vm0, $0xb8;
	[tilespmem:$0x1C000] =	vst v63  }
0x50: {  	s31 =	simm.s32 $0xA800  }
0x51: {  	[tilespmem:s31], [sflag:$0x3] =	stream.indirect_vreg.gather [hbm4b:s13+s4], $0x80, v2, vm0, $0xb8;
	[tilespmem:$0x1C000] =	vst v63  }
0x52: {  	s3 =	simm.s32 $0xB000  }
0x53: {  	[tilespmem:s3], [sflag:$0x3] =	stream.indirect_vreg.gather [hbm4b:s14+s4], $0x80, v2, vm0, $0xb8;
	[tilespmem:$0x1C000] =	vst v63  }
0x54: {  	s21 =	simm.s32 $0xB800  }
0x55: {  	[tilespmem:s21], [sflag:$0x3] =	stream.indirect_vreg.gather [hbm4b:s15+s4], $0x80, v2, vm0, $0xb8;
	[tilespmem:$0x1C000] =	vst v63  }
0x56: {  	v2 =	vld.msk [tilespmem:$0x80], $0xff;
	_ =	sdelay $0x4  }
0x57: {  	v3 =	vshll.u32 v2, $0x3  }
0x58: {  	v2 =	vand.u32 $0x7, v2;
	v3 =	vand.u32 $0xFFFFFFC0, v3  }
0x59: {  	v2 =	vor.u32 v2, v3  }
0x5a: {  	v2 =	vperm.xlane v2, v0;
	_ =	sdelay $0x1  }
0x5b: {  	v2 =	vadd.s32 v1, v2;
	_ =	sdelay $0x4  }
0x5c: {  	[tilespmem:s1], [sflag:$0x2] =	stream.indirect_vreg.gather [hbm4b:s28+s4], $0x80, v2, vm0, $0xb8;
	[tilespmem:$0x1C000] =	vst v63  }
0x5d: {  	s23 =	simm.s32 $0x6800  }
0x5e: {  	[tilespmem:s23], [sflag:$0x2] =	stream.indirect_vreg.gather [hbm4b:s6+s4], $0x80, v2, vm0, $0xb8;
	[tilespmem:$0x1C000] =	vst v63  }
0x5f: {  	s24 =	simm.s32 $0x7000  }
0x60: {  	[tilespmem:s24], [sflag:$0x2] =	stream.indirect_vreg.gather [hbm4b:s7+s4], $0x80, v2, vm0, $0xb8;
	[tilespmem:$0x1C000] =	vst v63  }
0x61: {  	s31 =	simm.s32 $0x7800  }
0x62: {  	[tilespmem:s31], [sflag:$0x2] =	stream.indirect_vreg.gather [hbm4b:s8+s4], $0x80, v2, vm0, $0xb8;
	[tilespmem:$0x1C000] =	vst v63  }
0x63: {  	v2 =	vld.msk [tilespmem:$0x80], $0xff;
	_ =	sdelay $0x4  }
0x64: {  	v3 =	vshll.u32 v2, $0x4  }
0x65: {  	v2 =	vand.u32 $0x7, v2;
	v3 =	vand.u32 $0xFFFFFF80, v3  }
0x66: {  	v2 =	vor.u32 v2, v3  }
0x67: {  	v2 =	vperm.xlane v2, v0;
	_ =	sdelay $0x1  }
0x68: {  	v2 =	vadd.s32 v1, v2;
	_ =	sdelay $0x4  }
0x69: {  	[tilespmem:s2], [sflag:$0x4] =	stream.indirect_vreg.gather [hbm4b:s29+s4], $0x80, v2, vm0, $0xb8;
	[tilespmem:$0x1C000] =	vst v63  }
0x6a: {  	s1 =	simm.s32 $0xC800  }
0x6b: {  	[tilespmem:s1], [sflag:$0x4] =	stream.indirect_vreg.gather [hbm4b:s9+s4], $0x80, v2, vm0, $0xb8;
	[tilespmem:$0x1C000] =	vst v63  }
0x6c: {  	s2 =	simm.s32 $0xD000  }
0x6d: {  	[tilespmem:s2], [sflag:$0x4] =	stream.indirect_vreg.gather [hbm4b:s10+s4], $0x80, v2, vm0, $0xb8;
	[tilespmem:$0x1C000] =	vst v63  }
0x6e: {  	s3 =	simm.s32 $0xD800  }
0x6f: {  	[tilespmem:s3], [sflag:$0x4] =	stream.indirect_vreg.gather [hbm4b:s11+s4], $0x80, v2, vm0, $0xb8;
	[tilespmem:$0x1C000] =	vst v63  }
0x70: {  	s21 =	simm.s32 $0xE000  }
0x71: {  	[tilespmem:s21], [sflag:$0x4] =	stream.indirect_vreg.gather [hbm4b:s12+s4], $0x80, v2, vm0, $0xb8;
	[tilespmem:$0x1C000] =	vst v63  }
0x72: {  	s23 =	simm.s32 $0xE800  }
0x73: {  	[tilespmem:s23], [sflag:$0x4] =	stream.indirect_vreg.gather [hbm4b:s13+s4], $0x80, v2, vm0, $0xb8;
	[tilespmem:$0x1C000] =	vst v63  }
0x74: {  	s24 =	simm.s32 $0xF000;
	s31 =	simm.s32 $0xF800;
	s1 =	simm.s32 $0x6000  }
0x75: {  	[tilespmem:s24], [sflag:$0x4] =	stream.indirect_vreg.gather [hbm4b:s14+s4], $0x80, v2, vm0, $0xb8;
	[tilespmem:$0x1C000] =	vst v63  }
0x76: {  	s3 =	rddreg [dreg:$0xb];
	s23 =	simm.s32 $0x180;
	s24 =	simm.s32 $0x0  }
0x77: {  	[tilespmem:s31], [sflag:$0x4] =	stream.indirect_vreg.gather [hbm4b:s15+s4], $0x80, v2, vm0, $0xb8;
	[tilespmem:$0x1C000] =	vst v63  }
.LBB2_2:
0x78: {  	s0 =	simm.s32 $0x1  }
0x79: {  	_ =	swait.ge [sflag:s0], $0x2000  }
0x7a: {  	[sflag:s0] =	ssyncset.done $0x0  }
0x7b: {  	s2 =	simm.s32 $0x3;
	[sflag:s0] =	ssyncadd.s32 $0xFFFFE000  }
0x7c: {  	_ =	swait.ge [sflag:s2], $0x4000  }
0x7d: {  	p0 =	seq.s32 s24, $0x0;
	[sflag:s2] =	ssyncset.done $0x0  }
0x7e: {  	s0 =	simm.s32 @!p0 $0x9;
	[sflag:s2] =	ssyncadd.s32 $0xFFFFC000  }
0x7f: {  	_ =	swait.ge @!p0 [sflag:s0], $0x400  }
0x80: {  	[sflag:s0] =	ssyncset.done @!p0 $0x0  }
0x81: {  	[sflag:s0] =	ssyncadd.s32 @!p0 $0xFFFFFC00;
	s0 =	simm.s32 @!p0 $0xB  }
0x82: {  	_ =	swait.ge @!p0 [sflag:s0], $0x800  }
0x83: {  	[sflag:s0] =	ssyncset.done @!p0 $0x0  }
0x84: {  	s21 =	simm.s32 $0x4000;
	[sflag:s0] =	ssyncadd.s32 @!p0 $0xFFFFF800  }
0x85: {  	[spmem:s16] =	stream.linear.scatter [tilespmem:s21], [sflag:$0x5], $0x2000, $0x38;
	[tilespmem:$0x1C000] =	vst v63  }
0x86: {  	s31 =	simm.s32 $0x8000;
	s2 =	simm.s32 $0x5  }
0x87: {  	[spmem:s17] =	stream.linear.scatter [tilespmem:s31], [sflag:$0x7], $0x4000, $0x38;
	[tilespmem:$0x1C000] =	vst v63  }
0x88: {  	_ =	swait.ge [sflag:s2], $0x2000  }
0x89: {  	[sflag:s2] =	ssyncset.done $0x0  }
0x8a: {  	s21 =	stileid.u32;
	[sflag:s2] =	ssyncadd.s32 $0xFFFFE000  }
0x8b: {  	s0 =	sshll.u32 s21, $0x6;
	_ =	swait.ge [sflag:s26], $0x4000  }
0x8c: {  	s21 =	sor.u32 $0x1C09, s0;
	[sflag:s26] =	ssyncset.done $0x0  }
0x8d: {  	s31 =	sshrl.u32 s16, $0x3;
	s2 =	sadd.s32 $0xFFFFFC00, s3;
	[sflag:s26] =	ssyncadd.s32 $0xFFFFC000  }
0x8e: {  	[hbm:s2], [sflag:s21] =	dma.local [spmem:s31], $0x400  }
0x8f: {  	p1 =	seq.s32 s24, $0x3F000;
	s2 =	rddreg [dreg:$0xa]  }
0x90: {  	s21 =	sor.u32 $0x1C0B, s0;
	s31 =	sshrl.u32 s17, $0x3;
	s2 =	sadd.s32 s24, s2  }
0x91: {  	[hbm:s2], [sflag:s21] =	dma.local [spmem:s31], $0x800  }
0x92: {  	v2 =	vld.msk @!p1 [tilespmem:s23+$0xFFFFFF80], $0xff;
	_ =	sdelay $0x4  }
0x93: {  	v3 =	vshll.u32 @!p1 v2, $0x3  }
0x94: {  	v4 =	vlaneseq.u32 @!p1;
	v2 =	vand.u32 @!p1 $0x7, v2;
	v3 =	vand.u32 @!p1 $0xFFFFFFC0, v3  }
0x95: {  	v2 =	vor.u32 @!p1 v2, v3;
	v3 =	vand.u32 @!p1 $0x7, v4;
	v4 =	vshrl.u32 @!p1 v4, $0x3  }
0x96: {  	v2 =	vperm.xlane @!p1 v2, v3;
	v4 =	vmul.u32 @!p1 $0x8, v4;
	_ =	sdelay $0x1  }
0x97: {  	v2 =	vadd.s32 @!p1 v4, v2;
	_ =	sdelay $0x3  }
0x98: {  	vm1 =	vmmov @!p1 $0xffff;
	s21 =	simm.s32 @!p1 $0x0;
	s31 =	simm.s32 @!p1 $0x4000  }
0x99: {  	[tilespmem:s31], [sflag:$0x1] =	stream.indirect_vreg.gather @!p1 [hbm4b:s28+s21], $0x80, v2, vm1, $0xb8;
	[tilespmem:$0x1C000] =	vst v63  }
0x9a: {  	s31 =	simm.s32 @!p1 $0x4800  }
0x9b: {  	[tilespmem:s31], [sflag:$0x1] =	stream.indirect_vreg.gather @!p1 [hbm4b:s6+s21], $0x80, v2, vm1, $0xb8;
	[tilespmem:$0x1C000] =	vst v63  }
0x9c: {  	s31 =	simm.s32 @!p1 $0x5000  }
0x9d: {  	[tilespmem:s31], [sflag:$0x1] =	stream.indirect_vreg.gather @!p1 [hbm4b:s7+s21], $0x80, v2, vm1, $0xb8;
	[tilespmem:$0x1C000] =	vst v63  }
0x9e: {  	s31 =	simm.s32 @!p1 $0x5800  }
0x9f: {  	[tilespmem:s31], [sflag:$0x1] =	stream.indirect_vreg.gather @!p1 [hbm4b:s8+s21], $0x80, v2, vm1, $0xb8;
	[tilespmem:$0x1C000] =	vst v63  }
0xa0: {  	v2 =	vld.msk @!p1 [tilespmem:s23+$0xFFFFFF80], $0xff;
	_ =	sdelay $0x4  }
0xa1: {  	v5 =	vshll.u32 @!p1 v2, $0x4  }
0xa2: {  	v2 =	vand.u32 @!p1 $0x7, v2;
	v5 =	vand.u32 @!p1 $0xFFFFFF80, v5  }
0xa3: {  	v2 =	vor.u32 @!p1 v2, v5  }
0xa4: {  	v2 =	vperm.xlane @!p1 v2, v3;
	_ =	sdelay $0x1  }
0xa5: {  	v2 =	vadd.s32 @!p1 v4, v2;
	_ =	sdelay $0x3  }
0xa6: {  	s31 =	simm.s32 @!p1 $0x8000  }
0xa7: {  	[tilespmem:s31], [sflag:$0x3] =	stream.indirect_vreg.gather @!p1 [hbm4b:s29+s21], $0x80, v2, vm1, $0xb8;
	[tilespmem:$0x1C000] =	vst v63  }
0xa8: {  	s31 =	simm.s32 @!p1 $0x8800  }
0xa9: {  	[tilespmem:s31], [sflag:$0x3] =	stream.indirect_vreg.gather @!p1 [hbm4b:s9+s21], $0x80, v2, vm1, $0xb8;
	[tilespmem:$0x1C000] =	vst v63  }
0xaa: {  	s31 =	simm.s32 @!p1 $0x9000  }
0xab: {  	[tilespmem:s31], [sflag:$0x3] =	stream.indirect_vreg.gather @!p1 [hbm4b:s10+s21], $0x80, v2, vm1, $0xb8;
	[tilespmem:$0x1C000] =	vst v63  }
0xac: {  	s31 =	simm.s32 @!p1 $0x9800  }
0xad: {  	[tilespmem:s31], [sflag:$0x3] =	stream.indirect_vreg.gather @!p1 [hbm4b:s11+s21], $0x80, v2, vm1, $0xb8;
	[tilespmem:$0x1C000] =	vst v63  }
0xae: {  	s31 =	simm.s32 @!p1 $0xA000  }
0xaf: {  	[tilespmem:s31], [sflag:$0x3] =	stream.indirect_vreg.gather @!p1 [hbm4b:s12+s21], $0x80, v2, vm1, $0xb8;
	[tilespmem:$0x1C000] =	vst v63  }
0xb0: {  	s31 =	simm.s32 @!p1 $0xA800  }
0xb1: {  	[tilespmem:s31], [sflag:$0x3] =	stream.indirect_vreg.gather @!p1 [hbm4b:s13+s21], $0x80, v2, vm1, $0xb8;
	[tilespmem:$0x1C000] =	vst v63  }
0xb2: {  	s31 =	simm.s32 @!p1 $0xB000  }
0xb3: {  	[tilespmem:s31], [sflag:$0x3] =	stream.indirect_vreg.gather @!p1 [hbm4b:s14+s21], $0x80, v2, vm1, $0xb8;
	[tilespmem:$0x1C000] =	vst v63  }
0xb4: {  	s31 =	simm.s32 @!p1 $0xB800  }
0xb5: {  	[tilespmem:s31], [sflag:$0x3] =	stream.indirect_vreg.gather @!p1 [hbm4b:s15+s21], $0x80, v2, vm1, $0xb8;
	[tilespmem:$0x1C000] =	vst v63  }
0xb6: {  	_ =	swait.ge [sflag:s30], $0x2000  }
0xb7: {  	[sflag:s30] =	ssyncset.done $0x0  }
0xb8: {  	[sflag:s30] =	ssyncadd.s32 $0xFFFFE000  }
0xb9: {  	_ =	swait.ge [sflag:s5], $0x4000  }
0xba: {  	[sflag:s5] =	ssyncset.done $0x0  }
0xbb: {  	s21 =	simm.s32 @!p0 $0xA;
	[sflag:s5] =	ssyncadd.s32 $0xFFFFC000  }
0xbc: {  	_ =	swait.ge @!p0 [sflag:s21], $0x400  }
0xbd: {  	[sflag:s21] =	ssyncset.done @!p0 $0x0  }
0xbe: {  	[sflag:s21] =	ssyncadd.s32 @!p0 $0xFFFFFC00;
	s21 =	simm.s32 @!p0 $0xC  }
0xbf: {  	_ =	swait.ge @!p0 [sflag:s21], $0x800  }
0xc0: {  	[sflag:s21] =	ssyncset.done @!p0 $0x0  }
0xc1: {  	[sflag:s21] =	ssyncadd.s32 @!p0 $0xFFFFF800  }
0xc2: {  	[spmem:s18] =	stream.linear.scatter [tilespmem:s1], [sflag:$0x6], $0x2000, $0x38;
	[tilespmem:$0x1C000] =	vst v63  }
0xc3: {  	_ = 	snop  }
0xc4: {  	[spmem:s19] =	stream.linear.scatter [tilespmem:s25], [sflag:$0x8], $0x4000, $0x38;
	[tilespmem:$0x1C000] =	vst v63  }
0xc5: {  	_ =	swait.ge [sflag:s20], $0x2000  }
0xc6: {  	[sflag:s20] =	ssyncset.done $0x0  }
0xc7: {  	[sflag:s20] =	ssyncadd.s32 $0xFFFFE000  }
0xc8: {  	_ =	swait.ge [sflag:s22], $0x4000  }
.Ltmp2:
0xc9: {  	[sflag:s22] =	ssyncset.done $0x0;
	(pc) =	sbr.rel @p1 .LBB2_4-.Ltmp2, $4  }
0xca: {  	s31 =	sshrl.u32 s18, $0x3;
	s21 =	sor.u32 $0x1C0A, s0;
	[sflag:s22] =	ssyncadd.s32 $0xFFFFC000  }
0xcb: {  	[hbm:s3], [sflag:s21] =	dma.local [spmem:s31], $0x400  }
0xcc: {  	s2 =	sadd.s32 $0x800, s2;
	s0 =	sor.u32 $0x1C0C, s0;
	s31 =	sshrl.u32 s19, $0x3  }
0xcd: {  	[hbm:s2], [sflag:s0] =	dma.local [spmem:s31], $0x800  }
0xce: {  	v2 =	vld.msk [tilespmem:s23+$0x0], $0xff;
	_ =	sdelay $0x4  }
0xcf: {  	v3 =	vshll.u32 v2, $0x3  }
0xd0: {  	v2 =	vand.u32 $0x7, v2;
	v3 =	vand.u32 $0xFFFFFFC0, v3  }
0xd1: {  	v2 =	vor.u32 v2, v3  }
0xd2: {  	v2 =	vperm.xlane v2, v0;
	_ =	sdelay $0x1  }
0xd3: {  	v2 =	vadd.s32 v1, v2;
	_ =	sdelay $0x4  }
0xd4: {  	[tilespmem:s1], [sflag:$0x2] =	stream.indirect_vreg.gather [hbm4b:s28+s4], $0x80, v2, vm0, $0xb8;
	[tilespmem:$0x1C000] =	vst v63  }
0xd5: {  	s0 =	simm.s32 $0x6800  }
0xd6: {  	[tilespmem:s0], [sflag:$0x2] =	stream.indirect_vreg.gather [hbm4b:s6+s4], $0x80, v2, vm0, $0xb8;
	[tilespmem:$0x1C000] =	vst v63  }
0xd7: {  	s2 =	simm.s32 $0x7000  }
0xd8: {  	[tilespmem:s2], [sflag:$0x2] =	stream.indirect_vreg.gather [hbm4b:s7+s4], $0x80, v2, vm0, $0xb8;
	[tilespmem:$0x1C000] =	vst v63  }
0xd9: {  	s21 =	simm.s32 $0x7800  }
0xda: {  	[tilespmem:s21], [sflag:$0x2] =	stream.indirect_vreg.gather [hbm4b:s8+s4], $0x80, v2, vm0, $0xb8;
	[tilespmem:$0x1C000] =	vst v63  }
0xdb: {  	v2 =	vld.msk [tilespmem:s23+$0x0], $0xff;
	_ =	sdelay $0x4  }
0xdc: {  	v3 =	vshll.u32 v2, $0x4  }
0xdd: {  	v2 =	vand.u32 $0x7, v2;
	v3 =	vand.u32 $0xFFFFFF80, v3  }
0xde: {  	v2 =	vor.u32 v2, v3  }
0xdf: {  	v2 =	vperm.xlane v2, v0;
	_ =	sdelay $0x1  }
0xe0: {  	v2 =	vadd.s32 v1, v2;
	_ =	sdelay $0x4  }
0xe1: {  	[tilespmem:s25], [sflag:$0x4] =	stream.indirect_vreg.gather [hbm4b:s29+s4], $0x80, v2, vm0, $0xb8;
	[tilespmem:$0x1C000] =	vst v63  }
0xe2: {  	s31 =	simm.s32 $0xC800  }
0xe3: {  	[tilespmem:s31], [sflag:$0x4] =	stream.indirect_vreg.gather [hbm4b:s9+s4], $0x80, v2, vm0, $0xb8;
	[tilespmem:$0x1C000] =	vst v63  }
0xe4: {  	s2 =	simm.s32 $0xD000  }
0xe5: {  	[tilespmem:s2], [sflag:$0x4] =	stream.indirect_vreg.gather [hbm4b:s10+s4], $0x80, v2, vm0, $0xb8;
	[tilespmem:$0x1C000] =	vst v63  }
0xe6: {  	s21 =	simm.s32 $0xD800  }
0xe7: {  	[tilespmem:s21], [sflag:$0x4] =	stream.indirect_vreg.gather [hbm4b:s11+s4], $0x80, v2, vm0, $0xb8;
	[tilespmem:$0x1C000] =	vst v63  }
0xe8: {  	s31 =	simm.s32 $0xE000  }
0xe9: {  	[tilespmem:s31], [sflag:$0x4] =	stream.indirect_vreg.gather [hbm4b:s12+s4], $0x80, v2, vm0, $0xb8;
	[tilespmem:$0x1C000] =	vst v63  }
0xea: {  	s2 =	simm.s32 $0xE800  }
0xeb: {  	[tilespmem:s2], [sflag:$0x4] =	stream.indirect_vreg.gather [hbm4b:s13+s4], $0x80, v2, vm0, $0xb8;
	[tilespmem:$0x1C000] =	vst v63  }
.Ltmp3:
0xec: {  	_ = 	snop;
	(pc) =	sbr.rel .LBB2_2-.Ltmp3, $4  }
0xed: {  	s24 =	sadd.s32 $0x1000, s24;
	s21 =	simm.s32 $0xF000  }
0xee: {  	[tilespmem:s21], [sflag:$0x4] =	stream.indirect_vreg.gather [hbm4b:s14+s4], $0x80, v2, vm0, $0xb8;
	[tilespmem:$0x1C000] =	vst v63  }
0xef: {  	s3 =	sadd.s32 $0x800, s3;
	s23 =	sadd.s32 $0x100, s23;
	s31 =	simm.s32 $0xF800  }
0xf0: {  	[tilespmem:s31], [sflag:$0x4] =	stream.indirect_vreg.gather [hbm4b:s15+s4], $0x80, v2, vm0, $0xb8;
	[tilespmem:$0x1C000] =	vst v63  }
.LBB2_5:
0xf1: {  	_ =	sfence.sel $0x180000  }
0xf2: {  	[bflag:$0x0] =	sbarrier.arrive $0xFFFF  }
0xf3: {  	_ =	strace $0x90000047  }
0xf4: {  	s0 =	stileid.u32;
	[bflag:$0x2] =	sbarrier.arrive $0xFFFF  }
0xf5: {  	p0 =	sne.s32 s0, $0x0;
	s0 =	rddreg [dreg:$0x7]  }
0xf6: {  	s0 =	sadd.s32 @!p0 $0x100000, s0  }
0xf7: {  	[sflag:s0] =	ssyncadd.tile.s32 @!p0 $0x1;
	_ =	shalt  }
.Lfunc_end2:
_tile_overlayer_lowered:
.L_overlay_start_2:
0xf8: {  	(tag) =	ssettag $0x2  }
0xf9: {  	s0 =	rddreg [dreg:$0x0];
	s2 =	stileid.u32  }
0xfa: {  	s1 =	rddreg [dreg:$0x1];
	p0 =	sne.s32 s2, $0x0  }
0xfb: {  	s3 =	rddreg [dreg:$0x2];
	[bflag:$0x3] =	sbarrier.arrive $0xFFFF;
	s2 =	simm.s32 @!p0 $0x1C0D  }
0xfc: {  	[timem:s3], [sflag:s2] =	dma.local @!p0 [hbm:s0], s1  }
0xfd: {  	s0 =	simm.s32 @!p0 $0xD  }
0xfe: {  	_ =	swait.ge @!p0 [sflag:s0], s1  }
0xff: {  	s1 =	ssub.s32 @!p0 $0x0, s1;
	[sflag:s0] =	ssyncset.done @!p0 $0x0  }
0x100: {  	[sflag:s0] =	ssyncadd.s32 @!p0 s1  }
0x101: {  	[bflag:$0x3] =	sbarrier.arrive $0xFFFF  }
0x102: {  	_ =	shalt  }

</sc_bundles>
